<compile_context>
chip_gen: v7x
topology: tpu7x:2x2x1
jax: 0.10.2.dev20260603
libtpu: 0.0.44.dev20260713+nightly
codegen_flags: <defaults>
</compile_context>

<pallas_src>
import functools
import numpy as np
import jax
import jax.numpy as jnp
from jax.experimental import pallas as pl

N_ATOMS = 10000
N_EDGES = 320000
N_BASIS = 7
N_RADIAL = 5
N_SPECIES = 119
R_MIN = 0.5
R_MAX = 6.0
FEAT_DIM = 360

NA_PAD = 10240
A_BLK = 2560
E_BLK = 512
A2_BLK = 2048

_BETTA = float(N_BASIS) ** 2 / R_MAX ** 2
_RAD_NORM = (2.0 * _BETTA / np.pi) ** 0.25
_SHIFTS = np.asarray(
    R_MIN + (R_MAX - R_MIN) / N_BASIS * np.arange(N_BASIS), dtype=np.float32
)

_I2, _J2 = np.tril_indices(N_RADIAL)
_TRIL3 = [(i, j, k) for i in range(N_RADIAL)
          for j in range(i + 1) for k in range(j + 1)]


def _edge_kernel(coeffs_ref, ri_ref, rj_ref, out_ref):
    dr = ri_ref[...] - rj_ref[...]
    dr2 = jnp.sum(dr * dr, axis=0, keepdims=True)
    dist = jnp.sqrt(dr2 + 1e-12)
    e = dr / dist
    shifts = R_MIN + (R_MAX - R_MIN) / N_BASIS * jax.lax.broadcasted_iota(
        jnp.int32, (N_BASIS, 1), 0).astype(jnp.float32)
    basis = _RAD_NORM * jnp.exp(-_BETTA * (dist - shifts) ** 2)
    coeffs = coeffs_ref[...].reshape(N_RADIAL, N_BASIS, E_BLK)
    radial = jnp.sum(coeffs * basis[None, :, :], axis=1)
    cutoff = jnp.where(
        dist < R_MAX, 0.5 * (jnp.cos(np.pi / R_MAX * dist) + 1.0), 0.0
    )
    out_ref[0:N_RADIAL, :] = radial * cutoff
    out_ref[N_RADIAL:, :] = e


def _segsum_kernel(red_ref, idx_ref, m_ref):
    a = pl.program_id(0)
    e_step = pl.program_id(1)

    @pl.when(e_step == 0)
    def _():
        m_ref[...] = jnp.zeros_like(m_ref)

    radial = red_ref[0:N_RADIAL, :]
    e = red_ref[N_RADIAL:, :]
    ee = (e[:, None, :] * e[None, :, :]).reshape(9, E_BLK)
    eee = (ee[:, None, :] * e[None, :, :]).reshape(27, E_BLK)
    ones = jnp.ones((1, E_BLK), jnp.float32)
    eprod = jnp.concatenate([ones, e, ee, eee], axis=0)
    payload = (radial[:, None, :] * eprod[None, :, :]).reshape(200, E_BLK)

    row = jax.lax.broadcasted_iota(
        jnp.int32, (A_BLK, E_BLK), 0).astype(jnp.float32)
    base = (a * A_BLK).astype(jnp.float32)
    onehot = jnp.where(row + base == idx_ref[...], 1.0, 0.0)
    m_ref[...] += jax.lax.dot_general(
        onehot, payload, (((1,), (1,)), ((), ())),
        preferred_element_type=jnp.float32)


def _swish(x):
    return x / (1.0 + jnp.exp(-x))


@functools.partial(jax.jit)
def _impl(R, Z, neighbor_idx, radial_emb, W0, b0, W1, b1, W2, b2, scale, shift):
    idx_i = neighbor_idx[0].astype(jnp.int32)
    idx_j = neighbor_idx[1].astype(jnp.int32)
    Zi = Z[idx_i]
    Zj = Z[idx_j]
    riT = R[idx_i].T
    rjT = R[idx_j].T
    coeffsT = radial_emb.reshape(N_SPECIES * N_SPECIES, N_RADIAL * N_BASIS)[
        Zi * N_SPECIES + Zj].T

    red = pl.pallas_call(
        _edge_kernel,
        grid=(N_EDGES // E_BLK,),
        in_specs=[
            pl.BlockSpec((N_RADIAL * N_BASIS, E_BLK), lambda e: (0, e)),
            pl.BlockSpec((3, E_BLK), lambda e: (0, e)),
            pl.BlockSpec((3, E_BLK), lambda e: (0, e)),
        ],
        out_specs=pl.BlockSpec((8, E_BLK), lambda e: (0, e)),
        out_shape=jax.ShapeDtypeStruct((8, N_EDGES), jnp.float32),
    )(coeffsT, riT, rjT)

    idxf = idx_i.astype(jnp.float32)[None, :]
    m = pl.pallas_call(
        _segsum_kernel,
        grid=(NA_PAD // A_BLK, N_EDGES // E_BLK),
        in_specs=[
            pl.BlockSpec((8, E_BLK), lambda a, e: (0, e)),
            pl.BlockSpec((1, E_BLK), lambda a, e: (0, e)),
        ],
        out_specs=pl.BlockSpec((A_BLK, 200), lambda a, e: (a, 0)),
        out_shape=jax.ShapeDtypeStruct((NA_PAD, 200), jnp.float32),
    )(red, idxf)

    mT = m.T
    maskZ = jnp.zeros((1, NA_PAD), jnp.float32).at[0, :N_ATOMS].set(
        (Z > 0).astype(jnp.float32))
    scaleZ = jnp.zeros((1, NA_PAD), jnp.float32).at[0, :N_ATOMS].set(
        scale[Z, 0])
    shiftZ = jnp.zeros((1, NA_PAD), jnp.float32).at[0, :N_ATOMS].set(
        shift[Z, 0])

    def _k2(m_ref, w0_ref, b0_ref, w1_ref, b1_ref, w2_ref, b2_ref,
            scale_ref, shift_ref, mask_ref, out_ref):
        A = A2_BLK
        mm = m_ref[...].reshape(N_RADIAL, 40, A)
        m0 = mm[:, 0, :]
        m1 = mm[:, 1:4, :]
        m2f = mm[:, 4:13, :]
        m2 = m2f.reshape(N_RADIAL, 3, 3, A)
        m3f = mm[:, 13:40, :]
        m3 = m3f.reshape(N_RADIAL, 9, 3, A)

        c1 = jnp.sum(m1[:, None] * m1[None, :], axis=2)
        c2 = jnp.sum(m2f[:, None] * m2f[None, :], axis=2)
        c3 = jnp.sum(m3f[:, None] * m3f[None, :], axis=2)
        t4 = jnp.sum(m2[:, None, :, :, None] * m2[None, :, :, None, :], axis=2)
        c4 = jnp.sum(t4[:, :, None] * m2[None, None, :], axis=(3, 4))
        t5 = jnp.sum(m1[:, None, None, :] * m2[None, :, :, :], axis=3)
        c5 = jnp.sum(m1[:, None, None] * t5[None], axis=3)
        t6 = jnp.sum(m3[:, None, :, :, None] * m3[None, :, :, None, :], axis=2)
        c6 = jnp.sum(t6[:, :, None] * m2[None, None, :], axis=(3, 4))
        t7 = jnp.sum(m3[:, None] * m2f[None, :, :, None], axis=2)
        c7 = jnp.sum(t7[:, :, None] * m1[None, None, :], axis=3)

        rows = [m0]
        rows += [c1[i, j][None] for i, j in zip(_I2, _J2)]
        rows += [c2[i, j][None] for i, j in zip(_I2, _J2)]
        rows += [c3[i, j][None] for i, j in zip(_I2, _J2)]
        rows += [c4[i, j, k][None] for i, j, k in _TRIL3]
        for i, j in zip(_I2, _J2):
            rows.append(c5[i, j])
        for i, j in zip(_I2, _J2):
            rows.append(c6[i, j])
        rows.append(c7.reshape(125, A))
        gm = jnp.concatenate(rows, axis=0)

        h = jax.lax.dot_general(w0_ref[...], gm, (((1,), (0,)), ((), ())),
                                preferred_element_type=jnp.float32)
        h = h * (1.0 / np.sqrt(float(FEAT_DIM))) + 0.1 * b0_ref[...]
        h = _swish(h)
        h = jax.lax.dot_general(w1_ref[...], h, (((1,), (0,)), ((), ())),
                                preferred_element_type=jnp.float32)
        h = h * (1.0 / np.sqrt(512.0)) + 0.1 * b1_ref[...]
        h = _swish(h)
        o = jax.lax.dot_general(w2_ref[...], h, (((1,), (0,)), ((), ())),
                                preferred_element_type=jnp.float32)
        o = o * (1.0 / np.sqrt(512.0)) + 0.1 * b2_ref[...]
        o = scale_ref[...] * o + shift_ref[...]
        out_ref[...] = jnp.where(mask_ref[...] > 0.0, o, 0.0)

    out = pl.pallas_call(
        _k2,
        grid=(NA_PAD // A2_BLK,),
        in_specs=[
            pl.BlockSpec((200, A2_BLK), lambda i: (0, i)),
            pl.BlockSpec((512, FEAT_DIM), lambda i: (0, 0)),
            pl.BlockSpec((512, 1), lambda i: (0, 0)),
            pl.BlockSpec((512, 512), lambda i: (0, 0)),
            pl.BlockSpec((512, 1), lambda i: (0, 0)),
            pl.BlockSpec((1, 512), lambda i: (0, 0)),
            pl.BlockSpec((1, 1), lambda i: (0, 0)),
            pl.BlockSpec((1, A2_BLK), lambda i: (0, i)),
            pl.BlockSpec((1, A2_BLK), lambda i: (0, i)),
            pl.BlockSpec((1, A2_BLK), lambda i: (0, i)),
        ],
        out_specs=pl.BlockSpec((1, A2_BLK), lambda i: (0, i)),
        out_shape=jax.ShapeDtypeStruct((1, NA_PAD), jnp.float32),
    )(mT, W0.T, b0[:, None], W1.T, b1[:, None], W2.T, b2[:, None],
      scaleZ, shiftZ, maskZ)

    return out[0, :N_ATOMS][:, None]


def kernel(R, Z, neighbor_idx, radial_emb, W0, b0, W1, b1, W2, b2, scale, shift):
    return _impl(R, Z, neighbor_idx, radial_emb,
                 W0, b0, W1, b1, W2, b2, scale, shift)

# --- scband reference (transcript-rebuilt; emitter-appended) ---
"""Pipeline reference for scband-gmnn-18141941858861 (READ-ONLY COPY).

The authoritative reference and input builder live on the scoring server;
editing this copy changes nothing except your own understanding.
"""

import jax, jax.numpy as jnp
import numpy as np

N_ATOMS = 10000
N_EDGES = 320000
N_BASIS = 7
N_RADIAL = 5
N_SPECIES = 119
R_MIN = 0.5
R_MAX = 6.0
FEAT_DIM = 360


def _tril2(n):
    i, j = np.tril_indices(n)
    return jnp.asarray(i), jnp.asarray(j)


def _tril3(n):
    idx = [(i, j, k) for i in range(n) for j in range(i + 1) for k in range(j + 1)]
    a = np.array(idx, dtype=np.int32)
    return jnp.asarray(a[:, 0]), jnp.asarray(a[:, 1]), jnp.asarray(a[:, 2])


def setup_inputs(seed: int = 0) -> dict:
    key = jax.random.key(seed)
    ks = jax.random.split(key, 12)
    R = jax.random.uniform(ks[0], (N_ATOMS, 3), dtype=jnp.float32) * 30.0
    Z = jax.random.randint(ks[1], (N_ATOMS,), 0, N_SPECIES)
    neighbor_idx = jax.random.randint(ks[2], (2, N_EDGES), 0, N_ATOMS)
    radial_emb = jax.random.normal(ks[3], (N_SPECIES, N_SPECIES, N_RADIAL, N_BASIS), dtype=jnp.float32) / np.sqrt(N_BASIS)
    W0 = jax.random.normal(ks[4], (FEAT_DIM, 512), dtype=jnp.float32)
    b0 = jax.random.normal(ks[5], (512,), dtype=jnp.float32)
    W1 = jax.random.normal(ks[6], (512, 512), dtype=jnp.float32)
    b1 = jax.random.normal(ks[7], (512,), dtype=jnp.float32)
    W2 = jax.random.normal(ks[8], (512, 1), dtype=jnp.float32)
    b2 = jax.random.normal(ks[9], (1,), dtype=jnp.float32)
    scale = jnp.ones((N_SPECIES, 1), dtype=jnp.float32)
    shift = jnp.zeros((N_SPECIES, 1), dtype=jnp.float32)
    return {"R": R, "Z": Z, "neighbor_idx": neighbor_idx, "radial_emb": radial_emb,
            "W0": W0, "b0": b0, "W1": W1, "b1": b1, "W2": W2, "b2": b2,
            "scale": scale, "shift": shift}


def _descriptor(R, Z, neighbor_idx, radial_emb):
    idx_i = neighbor_idx[0]
    idx_j = neighbor_idx[1]
    # free-space displacement
    dr_vec = R[idx_i] - R[idx_j]
    dr2 = jnp.sum(dr_vec * dr_vec, axis=-1)
    dist = jnp.sqrt(dr2 + 1e-12)
    e = dr_vec / dist[:, None]
    betta = float(N_BASIS) ** 2 / R_MAX ** 2
    rad_norm = (2.0 * betta / np.pi) ** 0.25
    shifts = jnp.asarray(R_MIN + (R_MAX - R_MIN) / N_BASIS * np.arange(N_BASIS), dtype=jnp.float32)
    basis = rad_norm * jnp.exp(-betta * (dist[:, None] - shifts) ** 2)
    coeffs = radial_emb[Z[idx_i], Z[idx_j]]
    cutoff = jnp.where(dist < R_MAX, 0.5 * (jnp.cos(np.pi * dist / R_MAX) + 1.0), 0.0)
    radial = jnp.einsum('prb,pb->pr', coeffs, basis) * cutoff[:, None]
    m0 = jax.ops.segment_sum(radial, idx_i, num_segments=N_ATOMS)
    m1 = jax.ops.segment_sum(radial[:, :, None] * e[:, None, :], idx_i, num_segments=N_ATOMS)
    ee = e[:, :, None] * e[:, None, :]
    m2 = jax.ops.segment_sum(radial[:, :, None, None] * ee[:, None, :, :], idx_i, num_segments=N_ATOMS)
    eee = ee[:, :, :, None] * e[:, None, None, :]
    m3 = jax.ops.segment_sum(radial[:, :, None, None, None] * eee[:, None, :, :, :], idx_i, num_segments=N_ATOMS)
    contr_0 = m0
    contr_1 = jnp.einsum('ari,asi->ars', m1, m1)
    contr_2 = jnp.einsum('arij,asij->ars', m2, m2)
    contr_3 = jnp.einsum('arijk,asijk->ars', m3, m3)
    contr_4 = jnp.einsum('arij,asik,atjk->arst', m2, m2, m2)
    contr_5 = jnp.einsum('ari,asj,atij->arst', m1, m1, m2)
    contr_6 = jnp.einsum('arijk,asijl,atkl->arst', m3, m3, m2)
    contr_7 = jnp.einsum('arijk,asij,atk->arst', m3, m2, m1)
    i2, j2 = _tril2(N_RADIAL)
    i3, j3, k3 = _tril3(N_RADIAL)
    n = N_RADIAL
    n2 = i2.shape[0]
    gm = jnp.concatenate([
        contr_0,
        contr_1[:, i2, j2],
        contr_2[:, i2, j2],
        contr_3[:, i2, j2],
        contr_4[:, i3, j3, k3],
        contr_5[:, i2, j2, :].reshape(-1, n2 * n),
        contr_6[:, i2, j2, :].reshape(-1, n2 * n),
        contr_7.reshape(-1, n * n * n),
    ], axis=-1)
    return gm


def _swish(x):
    return x * jax.nn.sigmoid(x)


def _readout(gm, W0, b0, W1, b1, W2, b2):
    h = gm @ W0 / np.sqrt(float(gm.shape[-1])) + 0.1 * b0
    h = _swish(h)
    h = h @ W1 / np.sqrt(512.0) + 0.1 * b1
    h = _swish(h)
    h = h @ W2 / np.sqrt(512.0) + 0.1 * b2
    return h


def reference(R, Z, neighbor_idx, radial_emb, W0, b0, W1, b1, W2, b2, scale, shift):
    gm = _descriptor(R, Z, neighbor_idx, radial_emb)
    h = _readout(gm, W0, b0, W1, b1, W2, b2)
    out = scale[Z] * h + shift[Z]
    out = jnp.where((Z > 0)[:, None], out, 0.0)
    return out

if __name__ == "__main__":
    import jax
    _d = setup_inputs()
    print(jax.jit(kernel)(*tuple(_d.values())))

</pallas_src>

<mosaic_0001>
module attributes {stable_mosaic.version = 14 : i64} {
  func.func @_edge_kernel(%arg0: i32, %arg1: memref<35x512xf32, #tpu.memory_space<vmem>>, %arg2: memref<3x512xf32, #tpu.memory_space<vmem>>, %arg3: memref<3x512xf32, #tpu.memory_space<vmem>>, %arg4: memref<8x512xf32, #tpu.memory_space<vmem>>) attributes {dimension_semantics = [#tpu.dimension_semantics<arbitrary>], iteration_bounds = array<i64: 625>, scalar_prefetch = 0 : i64, scratch_operands = 0 : i64, tpu.core_type = #tpu.core_type<tc>, window_params = [{transform_indices = @transform_0, window_bounds = array<i64: 35, 512>}, {transform_indices = @transform_1, window_bounds = array<i64: 3, 512>}, {transform_indices = @transform_2, window_bounds = array<i64: 3, 512>}, {transform_indices = @transform_3, window_bounds = array<i64: 8, 512>}]} {
    %get3A = arith.constant 0 : index
    %get3A_0 = arith.constant 0 : index
    %get3A_1 = vector.load %arg2[%get3A, %get3A_0] : memref<3x512xf32, #tpu.memory_space<vmem>>, vector<3x512xf32>
    %get3A_2 = arith.constant 0 : index
    %get3A_3 = arith.constant 0 : index
    %get3A_4 = vector.load %arg3[%get3A_2, %get3A_3] : memref<3x512xf32, #tpu.memory_space<vmem>>, vector<3x512xf32>
    %sub3A = arith.subf %get3A_1, %get3A_4 : vector<3x512xf32>
    %mul3A = arith.mulf %sub3A, %sub3A : vector<3x512xf32>
    %reduce_sum3A = arith.constant dense<0.000000e+00> : vector<512xf32>
    %reduce_sum3A_5 = vector.multi_reduction <add>, %mul3A, %reduce_sum3A [0] : vector<3x512xf32> to vector<512xf32>
    %broadcast_in_dim3A = vector.shape_cast %reduce_sum3A_5 : vector<512xf32> to vector<1x512xf32>
    %add3A = arith.constant 9.99999996E-13 : f32
    %add3A_6 = vector.broadcast %add3A : f32 to vector<1x512xf32>
    %add3A_7 = arith.addf %broadcast_in_dim3A, %add3A_6 : vector<1x512xf32>
    %sqrt3A = math.sqrt %add3A_7 : vector<1x512xf32>
    %div3A = vector.broadcast %sqrt3A : vector<1x512xf32> to vector<3x512xf32>
    %div3A_8 = arith.divf %sub3A, %div3A : vector<3x512xf32>
    %iota3A = tpu.iota {dimensions = array<i32: 0>} : vector<7x1xi32>
    %convert_element_type3A = arith.sitofp %iota3A : vector<7x1xi32> to vector<7x1xf32>
    %mul3A_9 = arith.constant 0.785714268 : f32
    %mul3A_10 = vector.broadcast %mul3A_9 : f32 to vector<7x1xf32>
    %mul3A_11 = arith.mulf %mul3A_10, %convert_element_type3A : vector<7x1xf32>
    %add3A_12 = arith.constant 5.000000e-01 : f32
    %add3A_13 = vector.broadcast %add3A_12 : f32 to vector<7x1xf32>
    %add3A_14 = arith.addf %add3A_13, %mul3A_11 : vector<7x1xf32>
    %sub3A_15 = vector.broadcast %sqrt3A : vector<1x512xf32> to vector<7x512xf32>
    %sub3A_16 = vector.broadcast %add3A_14 : vector<7x1xf32> to vector<7x512xf32>
    %sub3A_17 = arith.subf %sub3A_15, %sub3A_16 : vector<7x512xf32>
    %integer_pow3A = arith.mulf %sub3A_17, %sub3A_17 : vector<7x512xf32>
    %mul3A_18 = arith.constant -1.36111116 : f32
    %mul3A_19 = vector.broadcast %mul3A_18 : f32 to vector<7x512xf32>
    %mul3A_20 = arith.mulf %mul3A_19, %integer_pow3A : vector<7x512xf32>
    %exp3A = math.exp %mul3A_20 : vector<7x512xf32>
    %mul3A_21 = arith.constant 0.96481359 : f32
    %mul3A_22 = vector.broadcast %mul3A_21 : f32 to vector<7x512xf32>
    %mul3A_23 = arith.mulf %mul3A_22, %exp3A : vector<7x512xf32>
    %get3A_24 = arith.constant 0 : index
    %get3A_25 = arith.constant 0 : index
    %get3A_26 = vector.load %arg1[%get3A_24, %get3A_25] : memref<35x512xf32, #tpu.memory_space<vmem>>, vector<35x512xf32>
    %reshape3A = vector.shape_cast %get3A_26 : vector<35x512xf32> to vector<5x7x512xf32>
    %broadcast_in_dim3A_27 = vector.shape_cast %mul3A_23 : vector<7x512xf32> to vector<1x7x512xf32>
    %mul3A_28 = vector.broadcast %broadcast_in_dim3A_27 : vector<1x7x512xf32> to vector<5x7x512xf32>
    %mul3A_29 = arith.mulf %reshape3A, %mul3A_28 : vector<5x7x512xf32>
    %reduce_sum3A_30 = arith.constant dense<0.000000e+00> : vector<5x512xf32>
    %reduce_sum3A_31 = vector.multi_reduction <add>, %mul3A_29, %reduce_sum3A_30 [1] : vector<5x7x512xf32> to vector<5x512xf32>
    %lt3A = arith.constant 6.000000e+00 : f32
    %lt3A_32 = vector.broadcast %lt3A : f32 to vector<1x512xf32>
    %lt3A_33 = arith.cmpf olt, %sqrt3A, %lt3A_32 : vector<1x512xf32>
    %mul3A_34 = arith.constant 0.52359879 : f32
    %mul3A_35 = vector.broadcast %mul3A_34 : f32 to vector<1x512xf32>
    %mul3A_36 = arith.mulf %mul3A_35, %sqrt3A : vector<1x512xf32>
    %cos3A = math.cos %mul3A_36 : vector<1x512xf32>
    %add3A_37 = arith.constant 1.000000e+00 : f32
    %add3A_38 = vector.broadcast %add3A_37 : f32 to vector<1x512xf32>
    %add3A_39 = arith.addf %cos3A, %add3A_38 : vector<1x512xf32>
    %mul3A_40 = arith.constant 5.000000e-01 : f32
    %mul3A_41 = vector.broadcast %mul3A_40 : f32 to vector<1x512xf32>
    %mul3A_42 = arith.mulf %mul3A_41, %add3A_39 : vector<1x512xf32>
    %jit3A = arith.constant 0.000000e+00 : f32
    %broadcast_in_dim3A_43 = vector.broadcast %jit3A : f32 to vector<1x512xf32>
    %select_n3A = arith.select %lt3A_33, %mul3A_42, %broadcast_in_dim3A_43 : vector<1x512xi1>, vector<1x512xf32>
    %mul3A_44 = vector.broadcast %select_n3A : vector<1x512xf32> to vector<5x512xf32>
    %mul3A_45 = arith.mulf %reduce_sum3A_31, %mul3A_44 : vector<5x512xf32>
    %swap3A = arith.constant 0 : index
    %swap3A_46 = arith.constant 0 : index
    %swap3A_47 = vector.load %arg4[%swap3A, %swap3A_46] : memref<8x512xf32, #tpu.memory_space<vmem>>, vector<5x512xf32>
    tpu.vector_store %arg4[%swap3A, %swap3A_46], %mul3A_45 {strides = array<i32>} : memref<8x512xf32, #tpu.memory_space<vmem>>, vector<5x512xf32>,
    %swap3A_48 = arith.constant 5 : index
    %swap3A_49 = arith.constant 0 : index
    %swap3A_50 = vector.load %arg4[%swap3A_48, %swap3A_49] : memref<8x512xf32, #tpu.memory_space<vmem>>, vector<3x512xf32>
    tpu.vector_store %arg4[%swap3A_48, %swap3A_49], %div3A_8 {strides = array<i32>} : memref<8x512xf32, #tpu.memory_space<vmem>>, vector<3x512xf32>,
    return
  }
  func.func @transform_0(%arg0: i32) -> (i32, i32) {
    %c0_i32 = arith.constant 0 : i32
    %c0_i32_0 = arith.constant 0 : i32
    return %c0_i32, %arg0 : i32, i32
  }
  func.func @transform_1(%arg0: i32) -> (i32, i32) {
    %c0_i32 = arith.constant 0 : i32
    %c0_i32_0 = arith.constant 0 : i32
    return %c0_i32, %arg0 : i32, i32
  }
  func.func @transform_2(%arg0: i32) -> (i32, i32) {
    %c0_i32 = arith.constant 0 : i32
    %c0_i32_0 = arith.constant 0 : i32
    return %c0_i32, %arg0 : i32, i32
  }
  func.func @transform_3(%arg0: i32) -> (i32, i32) {
    %c0_i32 = arith.constant 0 : i32
    %c0_i32_0 = arith.constant 0 : i32
    return %c0_i32, %arg0 : i32, i32
  }
}

module attributes {stable_mosaic.version = 14 : i64} {
  func.func @_segsum_kernel(%arg0: i32, %arg1: i32, %arg2: memref<8x512xf32, #tpu.memory_space<vmem>>, %arg3: memref<1x512xf32, #tpu.memory_space<vmem>>, %arg4: memref<2560x200xf32, #tpu.memory_space<vmem>>) attributes {dimension_semantics = [#tpu.dimension_semantics<arbitrary>, #tpu.dimension_semantics<arbitrary>], iteration_bounds = array<i64: 4, 625>, scalar_prefetch = 0 : i64, scratch_operands = 0 : i64, tpu.core_type = #tpu.core_type<tc>, window_params = [{transform_indices = @transform_0, window_bounds = array<i64: 8, 512>}, {transform_indices = @transform_1, window_bounds = array<i64: 1, 512>}, {transform_indices = @transform_2, window_bounds = array<i64: 2560, 200>}]} {
    %eq3A = arith.constant 0 : i32
    %eq3A_0 = arith.cmpi eq, %arg1, %eq3A : i32
    %convert_element_type3A = arith.extui %eq3A_0 : i1 to i32
    %cond3A = arith.constant 0 : i32
    %cond3A_1 = arith.cmpi ne, %convert_element_type3A, %cond3A : i32
    scf.if %cond3A_1 {
      %broadcast_in_dim3A_44 = arith.constant 0.000000e+00 : f32
      %broadcast_in_dim3A_45 = vector.broadcast %broadcast_in_dim3A_44 : f32 to vector<2560x200xf32>
      %swap3A_46 = arith.constant 0 : index
      %swap3A_47 = arith.constant 0 : index
      %swap3A_48 = vector.load %arg4[%swap3A_46, %swap3A_47] : memref<2560x200xf32, #tpu.memory_space<vmem>>, vector<2560x200xf32>
      tpu.vector_store %arg4[%swap3A_46, %swap3A_47], %broadcast_in_dim3A_45 {strides = array<i32>} : memref<2560x200xf32, #tpu.memory_space<vmem>>, vector<2560x200xf32>,
    } else {
    }
    %get3A = arith.constant 0 : index
    %get3A_2 = arith.constant 0 : index
    %get3A_3 = vector.load %arg2[%get3A, %get3A_2] : memref<8x512xf32, #tpu.memory_space<vmem>>, vector<5x512xf32>
    %get3A_4 = arith.constant 5 : index
    %get3A_5 = arith.constant 0 : index
    %get3A_6 = vector.load %arg2[%get3A_4, %get3A_5] : memref<8x512xf32, #tpu.memory_space<vmem>>, vector<3x512xf32>
    %broadcast_in_dim3A = vector.shape_cast %get3A_6 : vector<3x512xf32> to vector<3x1x512xf32>
    %broadcast_in_dim3A_7 = vector.shape_cast %get3A_6 : vector<3x512xf32> to vector<1x3x512xf32>
    %mul3A = vector.broadcast %broadcast_in_dim3A : vector<3x1x512xf32> to vector<3x3x512xf32>
    %mul3A_8 = vector.broadcast %broadcast_in_dim3A_7 : vector<1x3x512xf32> to vector<3x3x512xf32>
    %mul3A_9 = arith.mulf %mul3A, %mul3A_8 : vector<3x3x512xf32>
    %reshape3A = vector.shape_cast %mul3A_9 : vector<3x3x512xf32> to vector<9x512xf32>
    %broadcast_in_dim3A_10 = vector.shape_cast %reshape3A : vector<9x512xf32> to vector<9x1x512xf32>
    %broadcast_in_dim3A_11 = vector.shape_cast %get3A_6 : vector<3x512xf32> to vector<1x3x512xf32>
    %mul3A_12 = vector.broadcast %broadcast_in_dim3A_10 : vector<9x1x512xf32> to vector<9x3x512xf32>
    %mul3A_13 = vector.broadcast %broadcast_in_dim3A_11 : vector<1x3x512xf32> to vector<9x3x512xf32>
    %mul3A_14 = arith.mulf %mul3A_12, %mul3A_13 : vector<9x3x512xf32>
    %reshape3A_15 = vector.shape_cast %mul3A_14 : vector<9x3x512xf32> to vector<27x512xf32>
    %broadcast_in_dim3A_16 = arith.constant 1.000000e+00 : f32
    %broadcast_in_dim3A_17 = vector.broadcast %broadcast_in_dim3A_16 : f32 to vector<1x512xf32>
    %concatenate3A = tpu.concatenate %broadcast_in_dim3A_17, %get3A_6, %reshape3A, %reshape3A_15 in 0 : vector<1x512xf32>, vector<3x512xf32>, vector<9x512xf32>, vector<27x512xf32> -> vector<40x512xf32>
    %broadcast_in_dim3A_18 = vector.shape_cast %get3A_3 : vector<5x512xf32> to vector<5x1x512xf32>
    %broadcast_in_dim3A_19 = vector.shape_cast %concatenate3A : vector<40x512xf32> to vector<1x40x512xf32>
    %mul3A_20 = vector.broadcast %broadcast_in_dim3A_18 : vector<5x1x512xf32> to vector<5x40x512xf32>
    %mul3A_21 = vector.broadcast %broadcast_in_dim3A_19 : vector<1x40x512xf32> to vector<5x40x512xf32>
    %mul3A_22 = arith.mulf %mul3A_20, %mul3A_21 : vector<5x40x512xf32>
    %reshape3A_23 = vector.shape_cast %mul3A_22 : vector<5x40x512xf32> to vector<200x512xf32>
    %iota3A = tpu.iota {dimensions = array<i32: 0>} : vector<2560x512xi32>
    %convert_element_type3A_24 = arith.sitofp %iota3A : vector<2560x512xi32> to vector<2560x512xf32>
    %mul3A_25 = arith.constant 2560 : i32
    %mul3A_26 = arith.muli %arg0, %mul3A_25 : i32
    %convert_element_type3A_27 = arith.sitofp %mul3A_26 : i32 to f32
    %add3A = vector.broadcast %convert_element_type3A_27 : f32 to vector<2560x512xf32>
    %add3A_28 = arith.addf %convert_element_type3A_24, %add3A : vector<2560x512xf32>
    %get3A_29 = arith.constant 0 : index
    %get3A_30 = arith.constant 0 : index
    %get3A_31 = vector.load %arg3[%get3A_29, %get3A_30] : memref<1x512xf32, #tpu.memory_space<vmem>>, vector<1x512xf32>
    %eq3A_32 = vector.broadcast %get3A_31 : vector<1x512xf32> to vector<2560x512xf32>
    %eq3A_33 = arith.cmpf oeq, %add3A_28, %eq3A_32 : vector<2560x512xf32>
    %jit3A = arith.constant 1.000000e+00 : f32
    %jit3A_34 = arith.constant 0.000000e+00 : f32
    %broadcast_in_dim3A_35 = vector.broadcast %jit3A : f32 to vector<2560x512xf32>
    %broadcast_in_dim3A_36 = vector.broadcast %jit3A_34 : f32 to vector<2560x512xf32>
    %select_n3A = arith.select %eq3A_33, %broadcast_in_dim3A_35, %broadcast_in_dim3A_36 : vector<2560x512xi1>, vector<2560x512xf32>
    %get3A_37 = arith.constant 0 : index
    %get3A_38 = arith.constant 0 : index
    %get3A_39 = vector.load %arg4[%get3A_37, %get3A_38] : memref<2560x200xf32, #tpu.memory_space<vmem>>, vector<2560x200xf32>
    %dot_general3A = arith.constant dense<0.000000e+00> : vector<2560x200xf32>
    %dot_general3A_40 = tpu.matmul %select_n3A, %reshape3A_23, %dot_general3A {dimension_numbers = #tpu.dot_dimension_numbers<[1], [1], [0], [0], [0, 0, 1, 0], [], []>, transpose_lhs_hint = false} : vector<2560x512xf32>, vector<200x512xf32>, vector<2560x200xf32> -> vector<2560x200xf32>
    %add3A_41 = arith.addf %get3A_39, %dot_general3A_40 : vector<2560x200xf32>
    %swap3A = arith.constant 0 : index
    %swap3A_42 = arith.constant 0 : index
    %swap3A_43 = vector.load %arg4[%swap3A, %swap3A_42] : memref<2560x200xf32, #tpu.memory_space<vmem>>, vector<2560x200xf32>
    tpu.vector_store %arg4[%swap3A, %swap3A_42], %add3A_41 {strides = array<i32>} : memref<2560x200xf32, #tpu.memory_space<vmem>>, vector<2560x200xf32>,
    return
  }
  func.func @transform_0(%arg0: i32, %arg1: i32) -> (i32, i32) {
    %c0_i32 = arith.constant 0 : i32
    %c0_i32_0 = arith.constant 0 : i32
    return %c0_i32, %arg1 : i32, i32
  }
  func.func @transform_1(%arg0: i32, %arg1: i32) -> (i32, i32) {
    %c0_i32 = arith.constant 0 : i32
    %c0_i32_0 = arith.constant 0 : i32
    return %c0_i32, %arg1 : i32, i32
  }
  func.func @transform_2(%arg0: i32, %arg1: i32) -> (i32, i32) {
    %c0_i32 = arith.constant 0 : i32
    %c0_i32_0 = arith.constant 0 : i32
    return %arg0, %c0_i32 : i32, i32
  }
}

module attributes {stable_mosaic.version = 14 : i64} {
  func.func @_k2(%arg0: i32, %arg1: memref<200x2048xf32, #tpu.memory_space<vmem>>, %arg2: memref<512x360xf32, #tpu.memory_space<vmem>>, %arg3: memref<512x1xf32, #tpu.memory_space<vmem>>, %arg4: memref<512x512xf32, #tpu.memory_space<vmem>>, %arg5: memref<512x1xf32, #tpu.memory_space<vmem>>, %arg6: memref<1x512xf32, #tpu.memory_space<vmem>>, %arg7: memref<1x1xf32, #tpu.memory_space<vmem>>, %arg8: memref<1x2048xf32, #tpu.memory_space<vmem>>, %arg9: memref<1x2048xf32, #tpu.memory_space<vmem>>, %arg10: memref<1x2048xf32, #tpu.memory_space<vmem>>, %arg11: memref<1x2048xf32, #tpu.memory_space<vmem>>) attributes {dimension_semantics = [#tpu.dimension_semantics<arbitrary>], iteration_bounds = array<i64: 5>, scalar_prefetch = 0 : i64, scratch_operands = 0 : i64, tpu.core_type = #tpu.core_type<tc>, window_params = [{transform_indices = @transform_0, window_bounds = array<i64: 200, 2048>}, {pipeline_mode = #tpu.pipeline_mode<synchronous>, transform_indices = @transform_1, window_bounds = array<i64: 512, 360>}, {pipeline_mode = #tpu.pipeline_mode<synchronous>, transform_indices = @transform_2, window_bounds = array<i64: 512, 1>}, {pipeline_mode = #tpu.pipeline_mode<synchronous>, transform_indices = @transform_3, window_bounds = array<i64: 512, 512>}, {pipeline_mode = #tpu.pipeline_mode<synchronous>, transform_indices = @transform_4, window_bounds = array<i64: 512, 1>}, {pipeline_mode = #tpu.pipeline_mode<synchronous>, transform_indices = @transform_5, window_bounds = array<i64: 1, 512>}, {pipeline_mode = #tpu.pipeline_mode<synchronous>, transform_indices = @transform_6, window_bounds = array<i64: 1, 1>}, {transform_indices = @transform_7, window_bounds = array<i64: 1, 2048>}, {transform_indices = @transform_8, window_bounds = array<i64: 1, 2048>}, {transform_indices = @transform_9, window_bounds = array<i64: 1, 2048>}, {transform_indices = @transform_10, window_bounds = array<i64: 1, 2048>}]} {
    %get3A = arith.constant 0 : index
    %get3A_0 = arith.constant 0 : index
    %get3A_1 = vector.load %arg1[%get3A, %get3A_0] : memref<200x2048xf32, #tpu.memory_space<vmem>>, vector<200x2048xf32>
    %reshape3A = vector.shape_cast %get3A_1 : vector<200x2048xf32> to vector<5x40x2048xf32>
    %slice3A = vector.extract_strided_slice %reshape3A {offsets = [0, 0, 0], sizes = [5, 1, 2048], strides = [1, 1, 1]} : vector<5x40x2048xf32> to vector<5x1x2048xf32>
    %squeeze3A = vector.shape_cast %slice3A : vector<5x1x2048xf32> to vector<5x2048xf32>
    %slice3A_2 = vector.extract_strided_slice %reshape3A {offsets = [0, 1, 0], sizes = [5, 3, 2048], strides = [1, 1, 1]} : vector<5x40x2048xf32> to vector<5x3x2048xf32>
    %slice3A_3 = vector.extract_strided_slice %reshape3A {offsets = [0, 4, 0], sizes = [5, 9, 2048], strides = [1, 1, 1]} : vector<5x40x2048xf32> to vector<5x9x2048xf32>
    %reshape3A_4 = vector.shape_cast %slice3A_3 : vector<5x9x2048xf32> to vector<5x3x3x2048xf32>
    %slice3A_5 = vector.extract_strided_slice %reshape3A {offsets = [0, 13, 0], sizes = [5, 27, 2048], strides = [1, 1, 1]} : vector<5x40x2048xf32> to vector<5x27x2048xf32>
    %reshape3A_6 = vector.shape_cast %slice3A_5 : vector<5x27x2048xf32> to vector<5x9x3x2048xf32>
    %broadcast_in_dim3A = vector.shape_cast %slice3A_2 : vector<5x3x2048xf32> to vector<5x1x3x2048xf32>
    %broadcast_in_dim3A_7 = vector.shape_cast %slice3A_2 : vector<5x3x2048xf32> to vector<1x5x3x2048xf32>
    %mul3A = vector.broadcast %broadcast_in_dim3A : vector<5x1x3x2048xf32> to vector<5x5x3x2048xf32>
    %mul3A_8 = vector.broadcast %broadcast_in_dim3A_7 : vector<1x5x3x2048xf32> to vector<5x5x3x2048xf32>
    %mul3A_9 = arith.mulf %mul3A, %mul3A_8 : vector<5x5x3x2048xf32>
    %reduce_sum3A = arith.constant dense<0.000000e+00> : vector<5x5x2048xf32>
    %reduce_sum3A_10 = vector.multi_reduction <add>, %mul3A_9, %reduce_sum3A [2] : vector<5x5x3x2048xf32> to vector<5x5x2048xf32>
    %broadcast_in_dim3A_11 = vector.shape_cast %slice3A_3 : vector<5x9x2048xf32> to vector<5x1x9x2048xf32>
    %broadcast_in_dim3A_12 = vector.shape_cast %slice3A_3 : vector<5x9x2048xf32> to vector<1x5x9x2048xf32>
    %mul3A_13 = vector.broadcast %broadcast_in_dim3A_11 : vector<5x1x9x2048xf32> to vector<5x5x9x2048xf32>
    %mul3A_14 = vector.broadcast %broadcast_in_dim3A_12 : vector<1x5x9x2048xf32> to vector<5x5x9x2048xf32>
    %mul3A_15 = arith.mulf %mul3A_13, %mul3A_14 : vector<5x5x9x2048xf32>
    %reduce_sum3A_16 = arith.constant dense<0.000000e+00> : vector<5x5x2048xf32>
    %reduce_sum3A_17 = vector.multi_reduction <add>, %mul3A_15, %reduce_sum3A_16 [2] : vector<5x5x9x2048xf32> to vector<5x5x2048xf32>
    %broadcast_in_dim3A_18 = vector.shape_cast %slice3A_5 : vector<5x27x2048xf32> to vector<5x1x27x2048xf32>
    %broadcast_in_dim3A_19 = vector.shape_cast %slice3A_5 : vector<5x27x2048xf32> to vector<1x5x27x2048xf32>
    %mul3A_20 = vector.broadcast %broadcast_in_dim3A_18 : vector<5x1x27x2048xf32> to vector<5x5x27x2048xf32>
    %mul3A_21 = vector.broadcast %broadcast_in_dim3A_19 : vector<1x5x27x2048xf32> to vector<5x5x27x2048xf32>
    %mul3A_22 = arith.mulf %mul3A_20, %mul3A_21 : vector<5x5x27x2048xf32>
    %reduce_sum3A_23 = arith.constant dense<0.000000e+00> : vector<5x5x2048xf32>
    %reduce_sum3A_24 = vector.multi_reduction <add>, %mul3A_22, %reduce_sum3A_23 [2] : vector<5x5x27x2048xf32> to vector<5x5x2048xf32>
    %broadcast_in_dim3A_25 = vector.shape_cast %reshape3A_4 : vector<5x3x3x2048xf32> to vector<5x1x3x3x1x2048xf32>
    %broadcast_in_dim3A_26 = vector.shape_cast %reshape3A_4 : vector<5x3x3x2048xf32> to vector<1x5x3x1x3x2048xf32>
    %mul3A_27 = vector.broadcast %broadcast_in_dim3A_25 : vector<5x1x3x3x1x2048xf32> to vector<5x5x3x3x3x2048xf32>
    %mul3A_28 = vector.broadcast %broadcast_in_dim3A_26 : vector<1x5x3x1x3x2048xf32> to vector<5x5x3x3x3x2048xf32>
    %mul3A_29 = arith.mulf %mul3A_27, %mul3A_28 : vector<5x5x3x3x3x2048xf32>
    %reduce_sum3A_30 = arith.constant dense<0.000000e+00> : vector<5x5x3x3x2048xf32>
    %reduce_sum3A_31 = vector.multi_reduction <add>, %mul3A_29, %reduce_sum3A_30 [2] : vector<5x5x3x3x3x2048xf32> to vector<5x5x3x3x2048xf32>
    %broadcast_in_dim3A_32 = vector.shape_cast %reduce_sum3A_31 : vector<5x5x3x3x2048xf32> to vector<5x5x1x3x3x2048xf32>
    %broadcast_in_dim3A_33 = vector.shape_cast %reshape3A_4 : vector<5x3x3x2048xf32> to vector<1x1x5x3x3x2048xf32>
    %mul3A_34 = vector.broadcast %broadcast_in_dim3A_32 : vector<5x5x1x3x3x2048xf32> to vector<5x5x5x3x3x2048xf32>
    %mul3A_35 = vector.broadcast %broadcast_in_dim3A_33 : vector<1x1x5x3x3x2048xf32> to vector<5x5x5x3x3x2048xf32>
    %mul3A_36 = arith.mulf %mul3A_34, %mul3A_35 : vector<5x5x5x3x3x2048xf32>
    %reduce_sum3A_37 = arith.constant dense<0.000000e+00> : vector<5x5x5x2048xf32>
    %reduce_sum3A_38 = vector.multi_reduction <add>, %mul3A_36, %reduce_sum3A_37 [3, 4] : vector<5x5x5x3x3x2048xf32> to vector<5x5x5x2048xf32>
    %broadcast_in_dim3A_39 = vector.shape_cast %slice3A_2 : vector<5x3x2048xf32> to vector<5x1x1x3x2048xf32>
    %broadcast_in_dim3A_40 = vector.shape_cast %reshape3A_4 : vector<5x3x3x2048xf32> to vector<1x5x3x3x2048xf32>
    %mul3A_41 = vector.broadcast %broadcast_in_dim3A_39 : vector<5x1x1x3x2048xf32> to vector<5x5x3x3x2048xf32>
    %mul3A_42 = vector.broadcast %broadcast_in_dim3A_40 : vector<1x5x3x3x2048xf32> to vector<5x5x3x3x2048xf32>
    %mul3A_43 = arith.mulf %mul3A_41, %mul3A_42 : vector<5x5x3x3x2048xf32>
    %reduce_sum3A_44 = arith.constant dense<0.000000e+00> : vector<5x5x3x2048xf32>
    %reduce_sum3A_45 = vector.multi_reduction <add>, %mul3A_43, %reduce_sum3A_44 [3] : vector<5x5x3x3x2048xf32> to vector<5x5x3x2048xf32>
    %broadcast_in_dim3A_46 = vector.shape_cast %slice3A_2 : vector<5x3x2048xf32> to vector<5x1x1x3x2048xf32>
    %broadcast_in_dim3A_47 = vector.shape_cast %reduce_sum3A_45 : vector<5x5x3x2048xf32> to vector<1x5x5x3x2048xf32>
    %mul3A_48 = vector.broadcast %broadcast_in_dim3A_46 : vector<5x1x1x3x2048xf32> to vector<5x5x5x3x2048xf32>
    %mul3A_49 = vector.broadcast %broadcast_in_dim3A_47 : vector<1x5x5x3x2048xf32> to vector<5x5x5x3x2048xf32>
    %mul3A_50 = arith.mulf %mul3A_48, %mul3A_49 : vector<5x5x5x3x2048xf32>
    %reduce_sum3A_51 = arith.constant dense<0.000000e+00> : vector<5x5x5x2048xf32>
    %reduce_sum3A_52 = vector.multi_reduction <add>, %mul3A_50, %reduce_sum3A_51 [3] : vector<5x5x5x3x2048xf32> to vector<5x5x5x2048xf32>
    %broadcast_in_dim3A_53 = vector.shape_cast %reshape3A_6 : vector<5x9x3x2048xf32> to vector<5x1x9x3x1x2048xf32>
    %broadcast_in_dim3A_54 = vector.shape_cast %reshape3A_6 : vector<5x9x3x2048xf32> to vector<1x5x9x1x3x2048xf32>
    %mul3A_55 = vector.broadcast %broadcast_in_dim3A_53 : vector<5x1x9x3x1x2048xf32> to vector<5x5x9x3x3x2048xf32>
    %mul3A_56 = vector.broadcast %broadcast_in_dim3A_54 : vector<1x5x9x1x3x2048xf32> to vector<5x5x9x3x3x2048xf32>
    %mul3A_57 = arith.mulf %mul3A_55, %mul3A_56 : vector<5x5x9x3x3x2048xf32>
    %reduce_sum3A_58 = arith.constant dense<0.000000e+00> : vector<5x5x3x3x2048xf32>
    %reduce_sum3A_59 = vector.multi_reduction <add>, %mul3A_57, %reduce_sum3A_58 [2] : vector<5x5x9x3x3x2048xf32> to vector<5x5x3x3x2048xf32>
    %broadcast_in_dim3A_60 = vector.shape_cast %reduce_sum3A_59 : vector<5x5x3x3x2048xf32> to vector<5x5x1x3x3x2048xf32>
    %broadcast_in_dim3A_61 = vector.shape_cast %reshape3A_4 : vector<5x3x3x2048xf32> to vector<1x1x5x3x3x2048xf32>
    %mul3A_62 = vector.broadcast %broadcast_in_dim3A_60 : vector<5x5x1x3x3x2048xf32> to vector<5x5x5x3x3x2048xf32>
    %mul3A_63 = vector.broadcast %broadcast_in_dim3A_61 : vector<1x1x5x3x3x2048xf32> to vector<5x5x5x3x3x2048xf32>
    %mul3A_64 = arith.mulf %mul3A_62, %mul3A_63 : vector<5x5x5x3x3x2048xf32>
    %reduce_sum3A_65 = arith.constant dense<0.000000e+00> : vector<5x5x5x2048xf32>
    %reduce_sum3A_66 = vector.multi_reduction <add>, %mul3A_64, %reduce_sum3A_65 [3, 4] : vector<5x5x5x3x3x2048xf32> to vector<5x5x5x2048xf32>
    %broadcast_in_dim3A_67 = vector.shape_cast %reshape3A_6 : vector<5x9x3x2048xf32> to vector<5x1x9x3x2048xf32>
    %broadcast_in_dim3A_68 = vector.shape_cast %slice3A_3 : vector<5x9x2048xf32> to vector<1x5x9x1x2048xf32>
    %mul3A_69 = vector.broadcast %broadcast_in_dim3A_67 : vector<5x1x9x3x2048xf32> to vector<5x5x9x3x2048xf32>
    %mul3A_70 = vector.broadcast %broadcast_in_dim3A_68 : vector<1x5x9x1x2048xf32> to vector<5x5x9x3x2048xf32>
    %mul3A_71 = arith.mulf %mul3A_69, %mul3A_70 : vector<5x5x9x3x2048xf32>
    %reduce_sum3A_72 = arith.constant dense<0.000000e+00> : vector<5x5x3x2048xf32>
    %reduce_sum3A_73 = vector.multi_reduction <add>, %mul3A_71, %reduce_sum3A_72 [2] : vector<5x5x9x3x2048xf32> to vector<5x5x3x2048xf32>
    %broadcast_in_dim3A_74 = vector.shape_cast %reduce_sum3A_73 : vector<5x5x3x2048xf32> to vector<5x5x1x3x2048xf32>
    %broadcast_in_dim3A_75 = vector.shape_cast %slice3A_2 : vector<5x3x2048xf32> to vector<1x1x5x3x2048xf32>
    %mul3A_76 = vector.broadcast %broadcast_in_dim3A_74 : vector<5x5x1x3x2048xf32> to vector<5x5x5x3x2048xf32>
    %mul3A_77 = vector.broadcast %broadcast_in_dim3A_75 : vector<1x1x5x3x2048xf32> to vector<5x5x5x3x2048xf32>
    %mul3A_78 = arith.mulf %mul3A_76, %mul3A_77 : vector<5x5x5x3x2048xf32>
    %reduce_sum3A_79 = arith.constant dense<0.000000e+00> : vector<5x5x5x2048xf32>
    %reduce_sum3A_80 = vector.multi_reduction <add>, %mul3A_78, %reduce_sum3A_79 [3] : vector<5x5x5x3x2048xf32> to vector<5x5x5x2048xf32>
    %slice3A_81 = vector.extract_strided_slice %reduce_sum3A_10 {offsets = [0, 0, 0], sizes = [1, 1, 2048], strides = [1, 1, 1]} : vector<5x5x2048xf32> to vector<1x1x2048xf32>
    %squeeze3A_82 = vector.shape_cast %slice3A_81 : vector<1x1x2048xf32> to vector<2048xf32>
    %broadcast_in_dim3A_83 = vector.shape_cast %squeeze3A_82 : vector<2048xf32> to vector<1x2048xf32>
    %slice3A_84 = vector.extract_strided_slice %reduce_sum3A_10 {offsets = [1, 0, 0], sizes = [1, 1, 2048], strides = [1, 1, 1]} : vector<5x5x2048xf32> to vector<1x1x2048xf32>
    %squeeze3A_85 = vector.shape_cast %slice3A_84 : vector<1x1x2048xf32> to vector<2048xf32>
    %broadcast_in_dim3A_86 = vector.shape_cast %squeeze3A_85 : vector<2048xf32> to vector<1x2048xf32>
    %slice3A_87 = vector.extract_strided_slice %reduce_sum3A_10 {offsets = [1, 1, 0], sizes = [1, 1, 2048], strides = [1, 1, 1]} : vector<5x5x2048xf32> to vector<1x1x2048xf32>
    %squeeze3A_88 = vector.shape_cast %slice3A_87 : vector<1x1x2048xf32> to vector<2048xf32>
    %broadcast_in_dim3A_89 = vector.shape_cast %squeeze3A_88 : vector<2048xf32> to vector<1x2048xf32>
    %slice3A_90 = vector.extract_strided_slice %reduce_sum3A_10 {offsets = [2, 0, 0], sizes = [1, 1, 2048], strides = [1, 1, 1]} : vector<5x5x2048xf32> to vector<1x1x2048xf32>
    %squeeze3A_91 = vector.shape_cast %slice3A_90 : vector<1x1x2048xf32> to vector<2048xf32>
    %broadcast_in_dim3A_92 = vector.shape_cast %squeeze3A_91 : vector<2048xf32> to vector<1x2048xf32>
    %slice3A_93 = vector.extract_strided_slice %reduce_sum3A_10 {offsets = [2, 1, 0], sizes = [1, 1, 2048], strides = [1, 1, 1]} : vector<5x5x2048xf32> to vector<1x1x2048xf32>
    %squeeze3A_94 = vector.shape_cast %slice3A_93 : vector<1x1x2048xf32> to vector<2048xf32>
    %broadcast_in_dim3A_95 = vector.shape_cast %squeeze3A_94 : vector<2048xf32> to vector<1x2048xf32>
    %slice3A_96 = vector.extract_strided_slice %reduce_sum3A_10 {offsets = [2, 2, 0], sizes = [1, 1, 2048], strides = [1, 1, 1]} : vector<5x5x2048xf32> to vector<1x1x2048xf32>
    %squeeze3A_97 = vector.shape_cast %slice3A_96 : vector<1x1x2048xf32> to vector<2048xf32>
    %broadcast_in_dim3A_98 = vector.shape_cast %squeeze3A_97 : vector<2048xf32> to vector<1x2048xf32>
    %slice3A_99 = vector.extract_strided_slice %reduce_sum3A_10 {offsets = [3, 0, 0], sizes = [1, 1, 2048], strides = [1, 1, 1]} : vector<5x5x2048xf32> to vector<1x1x2048xf32>
    %squeeze3A_100 = vector.shape_cast %slice3A_99 : vector<1x1x2048xf32> to vector<2048xf32>
    %broadcast_in_dim3A_101 = vector.shape_cast %squeeze3A_100 : vector<2048xf32> to vector<1x2048xf32>
    %slice3A_102 = vector.extract_strided_slice %reduce_sum3A_10 {offsets = [3, 1, 0], sizes = [1, 1, 2048], strides = [1, 1, 1]} : vector<5x5x2048xf32> to vector<1x1x2048xf32>
    %squeeze3A_103 = vector.shape_cast %slice3A_102 : vector<1x1x2048xf32> to vector<2048xf32>
    %broadcast_in_dim3A_104 = vector.shape_cast %squeeze3A_103 : vector<2048xf32> to vector<1x2048xf32>
    %slice3A_105 = vector.extract_strided_slice %reduce_sum3A_10 {offsets = [3, 2, 0], sizes = [1, 1, 2048], strides = [1, 1, 1]} : vector<5x5x2048xf32> to vector<1x1x2048xf32>
    %squeeze3A_106 = vector.shape_cast %slice3A_105 : vector<1x1x2048xf32> to vector<2048xf32>
    %broadcast_in_dim3A_107 = vector.shape_cast %squeeze3A_106 : vector<2048xf32> to vector<1x2048xf32>
    %slice3A_108 = vector.extract_strided_slice %reduce_sum3A_10 {offsets = [3, 3, 0], sizes = [1, 1, 2048], strides = [1, 1, 1]} : vector<5x5x2048xf32> to vector<1x1x2048xf32>
    %squeeze3A_109 = vector.shape_cast %slice3A_108 : vector<1x1x2048xf32> to vector<2048xf32>
    %broadcast_in_dim3A_110 = vector.shape_cast %squeeze3A_109 : vector<2048xf32> to vector<1x2048xf32>
    %slice3A_111 = vector.extract_strided_slice %reduce_sum3A_10 {offsets = [4, 0, 0], sizes = [1, 1, 2048], strides = [1, 1, 1]} : vector<5x5x2048xf32> to vector<1x1x2048xf32>
    %squeeze3A_112 = vector.shape_cast %slice3A_111 : vector<1x1x2048xf32> to vector<2048xf32>
    %broadcast_in_dim3A_113 = vector.shape_cast %squeeze3A_112 : vector<2048xf32> to vector<1x2048xf32>
    %slice3A_114 = vector.extract_strided_slice %reduce_sum3A_10 {offsets = [4, 1, 0], sizes = [1, 1, 2048], strides = [1, 1, 1]} : vector<5x5x2048xf32> to vector<1x1x2048xf32>
    %squeeze3A_115 = vector.shape_cast %slice3A_114 : vector<1x1x2048xf32> to vector<2048xf32>
    %broadcast_in_dim3A_116 = vector.shape_cast %squeeze3A_115 : vector<2048xf32> to vector<1x2048xf32>
    %slice3A_117 = vector.extract_strided_slice %reduce_sum3A_10 {offsets = [4, 2, 0], sizes = [1, 1, 2048], strides = [1, 1, 1]} : vector<5x5x2048xf32> to vector<1x1x2048xf32>
    %squeeze3A_118 = vector.shape_cast %slice3A_117 : vector<1x1x2048xf32> to vector<2048xf32>
    %broadcast_in_dim3A_119 = vector.shape_cast %squeeze3A_118 : vector<2048xf32> to vector<1x2048xf32>
    %slice3A_120 = vector.extract_strided_slice %reduce_sum3A_10 {offsets = [4, 3, 0], sizes = [1, 1, 2048], strides = [1, 1, 1]} : vector<5x5x2048xf32> to vector<1x1x2048xf32>
    %squeeze3A_121 = vector.shape_cast %slice3A_120 : vector<1x1x2048xf32> to vector<2048xf32>
    %broadcast_in_dim3A_122 = vector.shape_cast %squeeze3A_121 : vector<2048xf32> to vector<1x2048xf32>
    %slice3A_123 = vector.extract_strided_slice %reduce_sum3A_10 {offsets = [4, 4, 0], sizes = [1, 1, 2048], strides = [1, 1, 1]} : vector<5x5x2048xf32> to vector<1x1x2048xf32>
    %squeeze3A_124 = vector.shape_cast %slice3A_123 : vector<1x1x2048xf32> to vector<2048xf32>
    %broadcast_in_dim3A_125 = vector.shape_cast %squeeze3A_124 : vector<2048xf32> to vector<1x2048xf32>
    %slice3A_126 = vector.extract_strided_slice %reduce_sum3A_17 {offsets = [0, 0, 0], sizes = [1, 1, 2048], strides = [1, 1, 1]} : vector<5x5x2048xf32> to vector<1x1x2048xf32>
    %squeeze3A_127 = vector.shape_cast %slice3A_126 : vector<1x1x2048xf32> to vector<2048xf32>
    %broadcast_in_dim3A_128 = vector.shape_cast %squeeze3A_127 : vector<2048xf32> to vector<1x2048xf32>
    %slice3A_129 = vector.extract_strided_slice %reduce_sum3A_17 {offsets = [1, 0, 0], sizes = [1, 1, 2048], strides = [1, 1, 1]} : vector<5x5x2048xf32> to vector<1x1x2048xf32>
    %squeeze3A_130 = vector.shape_cast %slice3A_129 : vector<1x1x2048xf32> to vector<2048xf32>
    %broadcast_in_dim3A_131 = vector.shape_cast %squeeze3A_130 : vector<2048xf32> to vector<1x2048xf32>
    %slice3A_132 = vector.extract_strided_slice %reduce_sum3A_17 {offsets = [1, 1, 0], sizes = [1, 1, 2048], strides = [1, 1, 1]} : vector<5x5x2048xf32> to vector<1x1x2048xf32>
    %squeeze3A_133 = vector.shape_cast %slice3A_132 : vector<1x1x2048xf32> to vector<2048xf32>
    %broadcast_in_dim3A_134 = vector.shape_cast %squeeze3A_133 : vector<2048xf32> to vector<1x2048xf32>
    %slice3A_135 = vector.extract_strided_slice %reduce_sum3A_17 {offsets = [2, 0, 0], sizes = [1, 1, 2048], strides = [1, 1, 1]} : vector<5x5x2048xf32> to vector<1x1x2048xf32>
    %squeeze3A_136 = vector.shape_cast %slice3A_135 : vector<1x1x2048xf32> to vector<2048xf32>
    %broadcast_in_dim3A_137 = vector.shape_cast %squeeze3A_136 : vector<2048xf32> to vector<1x2048xf32>
    %slice3A_138 = vector.extract_strided_slice %reduce_sum3A_17 {offsets = [2, 1, 0], sizes = [1, 1, 2048], strides = [1, 1, 1]} : vector<5x5x2048xf32> to vector<1x1x2048xf32>
    %squeeze3A_139 = vector.shape_cast %slice3A_138 : vector<1x1x2048xf32> to vector<2048xf32>
    %broadcast_in_dim3A_140 = vector.shape_cast %squeeze3A_139 : vector<2048xf32> to vector<1x2048xf32>
    %slice3A_141 = vector.extract_strided_slice %reduce_sum3A_17 {offsets = [2, 2, 0], sizes = [1, 1, 2048], strides = [1, 1, 1]} : vector<5x5x2048xf32> to vector<1x1x2048xf32>
    %squeeze3A_142 = vector.shape_cast %slice3A_141 : vector<1x1x2048xf32> to vector<2048xf32>
    %broadcast_in_dim3A_143 = vector.shape_cast %squeeze3A_142 : vector<2048xf32> to vector<1x2048xf32>
    %slice3A_144 = vector.extract_strided_slice %reduce_sum3A_17 {offsets = [3, 0, 0], sizes = [1, 1, 2048], strides = [1, 1, 1]} : vector<5x5x2048xf32> to vector<1x1x2048xf32>
    %squeeze3A_145 = vector.shape_cast %slice3A_144 : vector<1x1x2048xf32> to vector<2048xf32>
    %broadcast_in_dim3A_146 = vector.shape_cast %squeeze3A_145 : vector<2048xf32> to vector<1x2048xf32>
    %slice3A_147 = vector.extract_strided_slice %reduce_sum3A_17 {offsets = [3, 1, 0], sizes = [1, 1, 2048], strides = [1, 1, 1]} : vector<5x5x2048xf32> to vector<1x1x2048xf32>
    %squeeze3A_148 = vector.shape_cast %slice3A_147 : vector<1x1x2048xf32> to vector<2048xf32>
    %broadcast_in_dim3A_149 = vector.shape_cast %squeeze3A_148 : vector<2048xf32> to vector<1x2048xf32>
    %slice3A_150 = vector.extract_strided_slice %reduce_sum3A_17 {offsets = [3, 2, 0], sizes = [1, 1, 2048], strides = [1, 1, 1]} : vector<5x5x2048xf32> to vector<1x1x2048xf32>
    %squeeze3A_151 = vector.shape_cast %slice3A_150 : vector<1x1x2048xf32> to vector<2048xf32>
    %broadcast_in_dim3A_152 = vector.shape_cast %squeeze3A_151 : vector<2048xf32> to vector<1x2048xf32>
    %slice3A_153 = vector.extract_strided_slice %reduce_sum3A_17 {offsets = [3, 3, 0], sizes = [1, 1, 2048], strides = [1, 1, 1]} : vector<5x5x2048xf32> to vector<1x1x2048xf32>
    %squeeze3A_154 = vector.shape_cast %slice3A_153 : vector<1x1x2048xf32> to vector<2048xf32>
    %broadcast_in_dim3A_155 = vector.shape_cast %squeeze3A_154 : vector<2048xf32> to vector<1x2048xf32>
    %slice3A_156 = vector.extract_strided_slice %reduce_sum3A_17 {offsets = [4, 0, 0], sizes = [1, 1, 2048], strides = [1, 1, 1]} : vector<5x5x2048xf32> to vector<1x1x2048xf32>
    %squeeze3A_157 = vector.shape_cast %slice3A_156 : vector<1x1x2048xf32> to vector<2048xf32>
    %broadcast_in_dim3A_158 = vector.shape_cast %squeeze3A_157 : vector<2048xf32> to vector<1x2048xf32>
    %slice3A_159 = vector.extract_strided_slice %reduce_sum3A_17 {offsets = [4, 1, 0], sizes = [1, 1, 2048], strides = [1, 1, 1]} : vector<5x5x2048xf32> to vector<1x1x2048xf32>
    %squeeze3A_160 = vector.shape_cast %slice3A_159 : vector<1x1x2048xf32> to vector<2048xf32>
    %broadcast_in_dim3A_161 = vector.shape_cast %squeeze3A_160 : vector<2048xf32> to vector<1x2048xf32>
    %slice3A_162 = vector.extract_strided_slice %reduce_sum3A_17 {offsets = [4, 2, 0], sizes = [1, 1, 2048], strides = [1, 1, 1]} : vector<5x5x2048xf32> to vector<1x1x2048xf32>
    %squeeze3A_163 = vector.shape_cast %slice3A_162 : vector<1x1x2048xf32> to vector<2048xf32>
    %broadcast_in_dim3A_164 = vector.shape_cast %squeeze3A_163 : vector<2048xf32> to vector<1x2048xf32>
    %slice3A_165 = vector.extract_strided_slice %reduce_sum3A_17 {offsets = [4, 3, 0], sizes = [1, 1, 2048], strides = [1, 1, 1]} : vector<5x5x2048xf32> to vector<1x1x2048xf32>
    %squeeze3A_166 = vector.shape_cast %slice3A_165 : vector<1x1x2048xf32> to vector<2048xf32>
    %broadcast_in_dim3A_167 = vector.shape_cast %squeeze3A_166 : vector<2048xf32> to vector<1x2048xf32>
    %slice3A_168 = vector.extract_strided_slice %reduce_sum3A_17 {offsets = [4, 4, 0], sizes = [1, 1, 2048], strides = [1, 1, 1]} : vector<5x5x2048xf32> to vector<1x1x2048xf32>
    %squeeze3A_169 = vector.shape_cast %slice3A_168 : vector<1x1x2048xf32> to vector<2048xf32>
    %broadcast_in_dim3A_170 = vector.shape_cast %squeeze3A_169 : vector<2048xf32> to vector<1x2048xf32>
    %slice3A_171 = vector.extract_strided_slice %reduce_sum3A_24 {offsets = [0, 0, 0], sizes = [1, 1, 2048], strides = [1, 1, 1]} : vector<5x5x2048xf32> to vector<1x1x2048xf32>
    %squeeze3A_172 = vector.shape_cast %slice3A_171 : vector<1x1x2048xf32> to vector<2048xf32>
    %broadcast_in_dim3A_173 = vector.shape_cast %squeeze3A_172 : vector<2048xf32> to vector<1x2048xf32>
    %slice3A_174 = vector.extract_strided_slice %reduce_sum3A_24 {offsets = [1, 0, 0], sizes = [1, 1, 2048], strides = [1, 1, 1]} : vector<5x5x2048xf32> to vector<1x1x2048xf32>
    %squeeze3A_175 = vector.shape_cast %slice3A_174 : vector<1x1x2048xf32> to vector<2048xf32>
    %broadcast_in_dim3A_176 = vector.shape_cast %squeeze3A_175 : vector<2048xf32> to vector<1x2048xf32>
    %slice3A_177 = vector.extract_strided_slice %reduce_sum3A_24 {offsets = [1, 1, 0], sizes = [1, 1, 2048], strides = [1, 1, 1]} : vector<5x5x2048xf32> to vector<1x1x2048xf32>
    %squeeze3A_178 = vector.shape_cast %slice3A_177 : vector<1x1x2048xf32> to vector<2048xf32>
    %broadcast_in_dim3A_179 = vector.shape_cast %squeeze3A_178 : vector<2048xf32> to vector<1x2048xf32>
    %slice3A_180 = vector.extract_strided_slice %reduce_sum3A_24 {offsets = [2, 0, 0], sizes = [1, 1, 2048], strides = [1, 1, 1]} : vector<5x5x2048xf32> to vector<1x1x2048xf32>
    %squeeze3A_181 = vector.shape_cast %slice3A_180 : vector<1x1x2048xf32> to vector<2048xf32>
    %broadcast_in_dim3A_182 = vector.shape_cast %squeeze3A_181 : vector<2048xf32> to vector<1x2048xf32>
    %slice3A_183 = vector.extract_strided_slice %reduce_sum3A_24 {offsets = [2, 1, 0], sizes = [1, 1, 2048], strides = [1, 1, 1]} : vector<5x5x2048xf32> to vector<1x1x2048xf32>
    %squeeze3A_184 = vector.shape_cast %slice3A_183 : vector<1x1x2048xf32> to vector<2048xf32>
    %broadcast_in_dim3A_185 = vector.shape_cast %squeeze3A_184 : vector<2048xf32> to vector<1x2048xf32>
    %slice3A_186 = vector.extract_strided_slice %reduce_sum3A_24 {offsets = [2, 2, 0], sizes = [1, 1, 2048], strides = [1, 1, 1]} : vector<5x5x2048xf32> to vector<1x1x2048xf32>
    %squeeze3A_187 = vector.shape_cast %slice3A_186 : vector<1x1x2048xf32> to vector<2048xf32>
    %broadcast_in_dim3A_188 = vector.shape_cast %squeeze3A_187 : vector<2048xf32> to vector<1x2048xf32>
    %slice3A_189 = vector.extract_strided_slice %reduce_sum3A_24 {offsets = [3, 0, 0], sizes = [1, 1, 2048], strides = [1, 1, 1]} : vector<5x5x2048xf32> to vector<1x1x2048xf32>
    %squeeze3A_190 = vector.shape_cast %slice3A_189 : vector<1x1x2048xf32> to vector<2048xf32>
    %broadcast_in_dim3A_191 = vector.shape_cast %squeeze3A_190 : vector<2048xf32> to vector<1x2048xf32>
    %slice3A_192 = vector.extract_strided_slice %reduce_sum3A_24 {offsets = [3, 1, 0], sizes = [1, 1, 2048], strides = [1, 1, 1]} : vector<5x5x2048xf32> to vector<1x1x2048xf32>
    %squeeze3A_193 = vector.shape_cast %slice3A_192 : vector<1x1x2048xf32> to vector<2048xf32>
    %broadcast_in_dim3A_194 = vector.shape_cast %squeeze3A_193 : vector<2048xf32> to vector<1x2048xf32>
    %slice3A_195 = vector.extract_strided_slice %reduce_sum3A_24 {offsets = [3, 2, 0], sizes = [1, 1, 2048], strides = [1, 1, 1]} : vector<5x5x2048xf32> to vector<1x1x2048xf32>
    %squeeze3A_196 = vector.shape_cast %slice3A_195 : vector<1x1x2048xf32> to vector<2048xf32>
    %broadcast_in_dim3A_197 = vector.shape_cast %squeeze3A_196 : vector<2048xf32> to vector<1x2048xf32>
    %slice3A_198 = vector.extract_strided_slice %reduce_sum3A_24 {offsets = [3, 3, 0], sizes = [1, 1, 2048], strides = [1, 1, 1]} : vector<5x5x2048xf32> to vector<1x1x2048xf32>
    %squeeze3A_199 = vector.shape_cast %slice3A_198 : vector<1x1x2048xf32> to vector<2048xf32>
    %broadcast_in_dim3A_200 = vector.shape_cast %squeeze3A_199 : vector<2048xf32> to vector<1x2048xf32>
    %slice3A_201 = vector.extract_strided_slice %reduce_sum3A_24 {offsets = [4, 0, 0], sizes = [1, 1, 2048], strides = [1, 1, 1]} : vector<5x5x2048xf32> to vector<1x1x2048xf32>
    %squeeze3A_202 = vector.shape_cast %slice3A_201 : vector<1x1x2048xf32> to vector<2048xf32>
    %broadcast_in_dim3A_203 = vector.shape_cast %squeeze3A_202 : vector<2048xf32> to vector<1x2048xf32>
    %slice3A_204 = vector.extract_strided_slice %reduce_sum3A_24 {offsets = [4, 1, 0], sizes = [1, 1, 2048], strides = [1, 1, 1]} : vector<5x5x2048xf32> to vector<1x1x2048xf32>
    %squeeze3A_205 = vector.shape_cast %slice3A_204 : vector<1x1x2048xf32> to vector<2048xf32>
    %broadcast_in_dim3A_206 = vector.shape_cast %squeeze3A_205 : vector<2048xf32> to vector<1x2048xf32>
    %slice3A_207 = vector.extract_strided_slice %reduce_sum3A_24 {offsets = [4, 2, 0], sizes = [1, 1, 2048], strides = [1, 1, 1]} : vector<5x5x2048xf32> to vector<1x1x2048xf32>
    %squeeze3A_208 = vector.shape_cast %slice3A_207 : vector<1x1x2048xf32> to vector<2048xf32>
    %broadcast_in_dim3A_209 = vector.shape_cast %squeeze3A_208 : vector<2048xf32> to vector<1x2048xf32>
    %slice3A_210 = vector.extract_strided_slice %reduce_sum3A_24 {offsets = [4, 3, 0], sizes = [1, 1, 2048], strides = [1, 1, 1]} : vector<5x5x2048xf32> to vector<1x1x2048xf32>
    %squeeze3A_211 = vector.shape_cast %slice3A_210 : vector<1x1x2048xf32> to vector<2048xf32>
    %broadcast_in_dim3A_212 = vector.shape_cast %squeeze3A_211 : vector<2048xf32> to vector<1x2048xf32>
    %slice3A_213 = vector.extract_strided_slice %reduce_sum3A_24 {offsets = [4, 4, 0], sizes = [1, 1, 2048], strides = [1, 1, 1]} : vector<5x5x2048xf32> to vector<1x1x2048xf32>
    %squeeze3A_214 = vector.shape_cast %slice3A_213 : vector<1x1x2048xf32> to vector<2048xf32>
    %broadcast_in_dim3A_215 = vector.shape_cast %squeeze3A_214 : vector<2048xf32> to vector<1x2048xf32>
    %slice3A_216 = vector.extract_strided_slice %reduce_sum3A_38 {offsets = [0, 0, 0, 0], sizes = [1, 1, 1, 2048], strides = [1, 1, 1, 1]} : vector<5x5x5x2048xf32> to vector<1x1x1x2048xf32>
    %squeeze3A_217 = vector.shape_cast %slice3A_216 : vector<1x1x1x2048xf32> to vector<2048xf32>
    %broadcast_in_dim3A_218 = vector.shape_cast %squeeze3A_217 : vector<2048xf32> to vector<1x2048xf32>
    %slice3A_219 = vector.extract_strided_slice %reduce_sum3A_38 {offsets = [1, 0, 0, 0], sizes = [1, 1, 1, 2048], strides = [1, 1, 1, 1]} : vector<5x5x5x2048xf32> to vector<1x1x1x2048xf32>
    %squeeze3A_220 = vector.shape_cast %slice3A_219 : vector<1x1x1x2048xf32> to vector<2048xf32>
    %broadcast_in_dim3A_221 = vector.shape_cast %squeeze3A_220 : vector<2048xf32> to vector<1x2048xf32>
    %slice3A_222 = vector.extract_strided_slice %reduce_sum3A_38 {offsets = [1, 1, 0, 0], sizes = [1, 1, 1, 2048], strides = [1, 1, 1, 1]} : vector<5x5x5x2048xf32> to vector<1x1x1x2048xf32>
    %squeeze3A_223 = vector.shape_cast %slice3A_222 : vector<1x1x1x2048xf32> to vector<2048xf32>
    %broadcast_in_dim3A_224 = vector.shape_cast %squeeze3A_223 : vector<2048xf32> to vector<1x2048xf32>
    %slice3A_225 = vector.extract_strided_slice %reduce_sum3A_38 {offsets = [1, 1, 1, 0], sizes = [1, 1, 1, 2048], strides = [1, 1, 1, 1]} : vector<5x5x5x2048xf32> to vector<1x1x1x2048xf32>
    %squeeze3A_226 = vector.shape_cast %slice3A_225 : vector<1x1x1x2048xf32> to vector<2048xf32>
    %broadcast_in_dim3A_227 = vector.shape_cast %squeeze3A_226 : vector<2048xf32> to vector<1x2048xf32>
    %slice3A_228 = vector.extract_strided_slice %reduce_sum3A_38 {offsets = [2, 0, 0, 0], sizes = [1, 1, 1, 2048], strides = [1, 1, 1, 1]} : vector<5x5x5x2048xf32> to vector<1x1x1x2048xf32>
    %squeeze3A_229 = vector.shape_cast %slice3A_228 : vector<1x1x1x2048xf32> to vector<2048xf32>
    %broadcast_in_dim3A_230 = vector.shape_cast %squeeze3A_229 : vector<2048xf32> to vector<1x2048xf32>
    %slice3A_231 = vector.extract_strided_slice %reduce_sum3A_38 {offsets = [2, 1, 0, 0], sizes = [1, 1, 1, 2048], strides = [1, 1, 1, 1]} : vector<5x5x5x2048xf32> to vector<1x1x1x2048xf32>
    %squeeze3A_232 = vector.shape_cast %slice3A_231 : vector<1x1x1x2048xf32> to vector<2048xf32>
    %broadcast_in_dim3A_233 = vector.shape_cast %squeeze3A_232 : vector<2048xf32> to vector<1x2048xf32>
    %slice3A_234 = vector.extract_strided_slice %reduce_sum3A_38 {offsets = [2, 1, 1, 0], sizes = [1, 1, 1, 2048], strides = [1, 1, 1, 1]} : vector<5x5x5x2048xf32> to vector<1x1x1x2048xf32>
    %squeeze3A_235 = vector.shape_cast %slice3A_234 : vector<1x1x1x2048xf32> to vector<2048xf32>
    %broadcast_in_dim3A_236 = vector.shape_cast %squeeze3A_235 : vector<2048xf32> to vector<1x2048xf32>
    %slice3A_237 = vector.extract_strided_slice %reduce_sum3A_38 {offsets = [2, 2, 0, 0], sizes = [1, 1, 1, 2048], strides = [1, 1, 1, 1]} : vector<5x5x5x2048xf32> to vector<1x1x1x2048xf32>
    %squeeze3A_238 = vector.shape_cast %slice3A_237 : vector<1x1x1x2048xf32> to vector<2048xf32>
    %broadcast_in_dim3A_239 = vector.shape_cast %squeeze3A_238 : vector<2048xf32> to vector<1x2048xf32>
    %slice3A_240 = vector.extract_strided_slice %reduce_sum3A_38 {offsets = [2, 2, 1, 0], sizes = [1, 1, 1, 2048], strides = [1, 1, 1, 1]} : vector<5x5x5x2048xf32> to vector<1x1x1x2048xf32>
    %squeeze3A_241 = vector.shape_cast %slice3A_240 : vector<1x1x1x2048xf32> to vector<2048xf32>
    %broadcast_in_dim3A_242 = vector.shape_cast %squeeze3A_241 : vector<2048xf32> to vector<1x2048xf32>
    %slice3A_243 = vector.extract_strided_slice %reduce_sum3A_38 {offsets = [2, 2, 2, 0], sizes = [1, 1, 1, 2048], strides = [1, 1, 1, 1]} : vector<5x5x5x2048xf32> to vector<1x1x1x2048xf32>
    %squeeze3A_244 = vector.shape_cast %slice3A_243 : vector<1x1x1x2048xf32> to vector<2048xf32>
    %broadcast_in_dim3A_245 = vector.shape_cast %squeeze3A_244 : vector<2048xf32> to vector<1x2048xf32>
    %slice3A_246 = vector.extract_strided_slice %reduce_sum3A_38 {offsets = [3, 0, 0, 0], sizes = [1, 1, 1, 2048], strides = [1, 1, 1, 1]} : vector<5x5x5x2048xf32> to vector<1x1x1x2048xf32>
    %squeeze3A_247 = vector.shape_cast %slice3A_246 : vector<1x1x1x2048xf32> to vector<2048xf32>
    %broadcast_in_dim3A_248 = vector.shape_cast %squeeze3A_247 : vector<2048xf32> to vector<1x2048xf32>
    %slice3A_249 = vector.extract_strided_slice %reduce_sum3A_38 {offsets = [3, 1, 0, 0], sizes = [1, 1, 1, 2048], strides = [1, 1, 1, 1]} : vector<5x5x5x2048xf32> to vector<1x1x1x2048xf32>
    %squeeze3A_250 = vector.shape_cast %slice3A_249 : vector<1x1x1x2048xf32> to vector<2048xf32>
    %broadcast_in_dim3A_251 = vector.shape_cast %squeeze3A_250 : vector<2048xf32> to vector<1x2048xf32>
    %slice3A_252 = vector.extract_strided_slice %reduce_sum3A_38 {offsets = [3, 1, 1, 0], sizes = [1, 1, 1, 2048], strides = [1, 1, 1, 1]} : vector<5x5x5x2048xf32> to vector<1x1x1x2048xf32>
    %squeeze3A_253 = vector.shape_cast %slice3A_252 : vector<1x1x1x2048xf32> to vector<2048xf32>
    %broadcast_in_dim3A_254 = vector.shape_cast %squeeze3A_253 : vector<2048xf32> to vector<1x2048xf32>
    %slice3A_255 = vector.extract_strided_slice %reduce_sum3A_38 {offsets = [3, 2, 0, 0], sizes = [1, 1, 1, 2048], strides = [1, 1, 1, 1]} : vector<5x5x5x2048xf32> to vector<1x1x1x2048xf32>
    %squeeze3A_256 = vector.shape_cast %slice3A_255 : vector<1x1x1x2048xf32> to vector<2048xf32>
    %broadcast_in_dim3A_257 = vector.shape_cast %squeeze3A_256 : vector<2048xf32> to vector<1x2048xf32>
    %slice3A_258 = vector.extract_strided_slice %reduce_sum3A_38 {offsets = [3, 2, 1, 0], sizes = [1, 1, 1, 2048], strides = [1, 1, 1, 1]} : vector<5x5x5x2048xf32> to vector<1x1x1x2048xf32>
    %squeeze3A_259 = vector.shape_cast %slice3A_258 : vector<1x1x1x2048xf32> to vector<2048xf32>
    %broadcast_in_dim3A_260 = vector.shape_cast %squeeze3A_259 : vector<2048xf32> to vector<1x2048xf32>
    %slice3A_261 = vector.extract_strided_slice %reduce_sum3A_38 {offsets = [3, 2, 2, 0], sizes = [1, 1, 1, 2048], strides = [1, 1, 1, 1]} : vector<5x5x5x2048xf32> to vector<1x1x1x2048xf32>
    %squeeze3A_262 = vector.shape_cast %slice3A_261 : vector<1x1x1x2048xf32> to vector<2048xf32>
    %broadcast_in_dim3A_263 = vector.shape_cast %squeeze3A_262 : vector<2048xf32> to vector<1x2048xf32>
    %slice3A_264 = vector.extract_strided_slice %reduce_sum3A_38 {offsets = [3, 3, 0, 0], sizes = [1, 1, 1, 2048], strides = [1, 1, 1, 1]} : vector<5x5x5x2048xf32> to vector<1x1x1x2048xf32>
    %squeeze3A_265 = vector.shape_cast %slice3A_264 : vector<1x1x1x2048xf32> to vector<2048xf32>
    %broadcast_in_dim3A_266 = vector.shape_cast %squeeze3A_265 : vector<2048xf32> to vector<1x2048xf32>
    %slice3A_267 = vector.extract_strided_slice %reduce_sum3A_38 {offsets = [3, 3, 1, 0], sizes = [1, 1, 1, 2048], strides = [1, 1, 1, 1]} : vector<5x5x5x2048xf32> to vector<1x1x1x2048xf32>
    %squeeze3A_268 = vector.shape_cast %slice3A_267 : vector<1x1x1x2048xf32> to vector<2048xf32>
    %broadcast_in_dim3A_269 = vector.shape_cast %squeeze3A_268 : vector<2048xf32> to vector<1x2048xf32>
    %slice3A_270 = vector.extract_strided_slice %reduce_sum3A_38 {offsets = [3, 3, 2, 0], sizes = [1, 1, 1, 2048], strides = [1, 1, 1, 1]} : vector<5x5x5x2048xf32> to vector<1x1x1x2048xf32>
    %squeeze3A_271 = vector.shape_cast %slice3A_270 : vector<1x1x1x2048xf32> to vector<2048xf32>
    %broadcast_in_dim3A_272 = vector.shape_cast %squeeze3A_271 : vector<2048xf32> to vector<1x2048xf32>
    %slice3A_273 = vector.extract_strided_slice %reduce_sum3A_38 {offsets = [3, 3, 3, 0], sizes = [1, 1, 1, 2048], strides = [1, 1, 1, 1]} : vector<5x5x5x2048xf32> to vector<1x1x1x2048xf32>
    %squeeze3A_274 = vector.shape_cast %slice3A_273 : vector<1x1x1x2048xf32> to vector<2048xf32>
    %broadcast_in_dim3A_275 = vector.shape_cast %squeeze3A_274 : vector<2048xf32> to vector<1x2048xf32>
    %slice3A_276 = vector.extract_strided_slice %reduce_sum3A_38 {offsets = [4, 0, 0, 0], sizes = [1, 1, 1, 2048], strides = [1, 1, 1, 1]} : vector<5x5x5x2048xf32> to vector<1x1x1x2048xf32>
    %squeeze3A_277 = vector.shape_cast %slice3A_276 : vector<1x1x1x2048xf32> to vector<2048xf32>
    %broadcast_in_dim3A_278 = vector.shape_cast %squeeze3A_277 : vector<2048xf32> to vector<1x2048xf32>
    %slice3A_279 = vector.extract_strided_slice %reduce_sum3A_38 {offsets = [4, 1, 0, 0], sizes = [1, 1, 1, 2048], strides = [1, 1, 1, 1]} : vector<5x5x5x2048xf32> to vector<1x1x1x2048xf32>
    %squeeze3A_280 = vector.shape_cast %slice3A_279 : vector<1x1x1x2048xf32> to vector<2048xf32>
    %broadcast_in_dim3A_281 = vector.shape_cast %squeeze3A_280 : vector<2048xf32> to vector<1x2048xf32>
    %slice3A_282 = vector.extract_strided_slice %reduce_sum3A_38 {offsets = [4, 1, 1, 0], sizes = [1, 1, 1, 2048], strides = [1, 1, 1, 1]} : vector<5x5x5x2048xf32> to vector<1x1x1x2048xf32>
    %squeeze3A_283 = vector.shape_cast %slice3A_282 : vector<1x1x1x2048xf32> to vector<2048xf32>
    %broadcast_in_dim3A_284 = vector.shape_cast %squeeze3A_283 : vector<2048xf32> to vector<1x2048xf32>
    %slice3A_285 = vector.extract_strided_slice %reduce_sum3A_38 {offsets = [4, 2, 0, 0], sizes = [1, 1, 1, 2048], strides = [1, 1, 1, 1]} : vector<5x5x5x2048xf32> to vector<1x1x1x2048xf32>
    %squeeze3A_286 = vector.shape_cast %slice3A_285 : vector<1x1x1x2048xf32> to vector<2048xf32>
    %broadcast_in_dim3A_287 = vector.shape_cast %squeeze3A_286 : vector<2048xf32> to vector<1x2048xf32>
    %slice3A_288 = vector.extract_strided_slice %reduce_sum3A_38 {offsets = [4, 2, 1, 0], sizes = [1, 1, 1, 2048], strides = [1, 1, 1, 1]} : vector<5x5x5x2048xf32> to vector<1x1x1x2048xf32>
    %squeeze3A_289 = vector.shape_cast %slice3A_288 : vector<1x1x1x2048xf32> to vector<2048xf32>
    %broadcast_in_dim3A_290 = vector.shape_cast %squeeze3A_289 : vector<2048xf32> to vector<1x2048xf32>
    %slice3A_291 = vector.extract_strided_slice %reduce_sum3A_38 {offsets = [4, 2, 2, 0], sizes = [1, 1, 1, 2048], strides = [1, 1, 1, 1]} : vector<5x5x5x2048xf32> to vector<1x1x1x2048xf32>
    %squeeze3A_292 = vector.shape_cast %slice3A_291 : vector<1x1x1x2048xf32> to vector<2048xf32>
    %broadcast_in_dim3A_293 = vector.shape_cast %squeeze3A_292 : vector<2048xf32> to vector<1x2048xf32>
    %slice3A_294 = vector.extract_strided_slice %reduce_sum3A_38 {offsets = [4, 3, 0, 0], sizes = [1, 1, 1, 2048], strides = [1, 1, 1, 1]} : vector<5x5x5x2048xf32> to vector<1x1x1x2048xf32>
    %squeeze3A_295 = vector.shape_cast %slice3A_294 : vector<1x1x1x2048xf32> to vector<2048xf32>
    %broadcast_in_dim3A_296 = vector.shape_cast %squeeze3A_295 : vector<2048xf32> to vector<1x2048xf32>
    %slice3A_297 = vector.extract_strided_slice %reduce_sum3A_38 {offsets = [4, 3, 1, 0], sizes = [1, 1, 1, 2048], strides = [1, 1, 1, 1]} : vector<5x5x5x2048xf32> to vector<1x1x1x2048xf32>
    %squeeze3A_298 = vector.shape_cast %slice3A_297 : vector<1x1x1x2048xf32> to vector<2048xf32>
    %broadcast_in_dim3A_299 = vector.shape_cast %squeeze3A_298 : vector<2048xf32> to vector<1x2048xf32>
    %slice3A_300 = vector.extract_strided_slice %reduce_sum3A_38 {offsets = [4, 3, 2, 0], sizes = [1, 1, 1, 2048], strides = [1, 1, 1, 1]} : vector<5x5x5x2048xf32> to vector<1x1x1x2048xf32>
    %squeeze3A_301 = vector.shape_cast %slice3A_300 : vector<1x1x1x2048xf32> to vector<2048xf32>
    %broadcast_in_dim3A_302 = vector.shape_cast %squeeze3A_301 : vector<2048xf32> to vector<1x2048xf32>
    %slice3A_303 = vector.extract_strided_slice %reduce_sum3A_38 {offsets = [4, 3, 3, 0], sizes = [1, 1, 1, 2048], strides = [1, 1, 1, 1]} : vector<5x5x5x2048xf32> to vector<1x1x1x2048xf32>
    %squeeze3A_304 = vector.shape_cast %slice3A_303 : vector<1x1x1x2048xf32> to vector<2048xf32>
    %broadcast_in_dim3A_305 = vector.shape_cast %squeeze3A_304 : vector<2048xf32> to vector<1x2048xf32>
    %slice3A_306 = vector.extract_strided_slice %reduce_sum3A_38 {offsets = [4, 4, 0, 0], sizes = [1, 1, 1, 2048], strides = [1, 1, 1, 1]} : vector<5x5x5x2048xf32> to vector<1x1x1x2048xf32>
    %squeeze3A_307 = vector.shape_cast %slice3A_306 : vector<1x1x1x2048xf32> to vector<2048xf32>
    %broadcast_in_dim3A_308 = vector.shape_cast %squeeze3A_307 : vector<2048xf32> to vector<1x2048xf32>
    %slice3A_309 = vector.extract_strided_slice %reduce_sum3A_38 {offsets = [4, 4, 1, 0], sizes = [1, 1, 1, 2048], strides = [1, 1, 1, 1]} : vector<5x5x5x2048xf32> to vector<1x1x1x2048xf32>
    %squeeze3A_310 = vector.shape_cast %slice3A_309 : vector<1x1x1x2048xf32> to vector<2048xf32>
    %broadcast_in_dim3A_311 = vector.shape_cast %squeeze3A_310 : vector<2048xf32> to vector<1x2048xf32>
    %slice3A_312 = vector.extract_strided_slice %reduce_sum3A_38 {offsets = [4, 4, 2, 0], sizes = [1, 1, 1, 2048], strides = [1, 1, 1, 1]} : vector<5x5x5x2048xf32> to vector<1x1x1x2048xf32>
    %squeeze3A_313 = vector.shape_cast %slice3A_312 : vector<1x1x1x2048xf32> to vector<2048xf32>
    %broadcast_in_dim3A_314 = vector.shape_cast %squeeze3A_313 : vector<2048xf32> to vector<1x2048xf32>
    %slice3A_315 = vector.extract_strided_slice %reduce_sum3A_38 {offsets = [4, 4, 3, 0], sizes = [1, 1, 1, 2048], strides = [1, 1, 1, 1]} : vector<5x5x5x2048xf32> to vector<1x1x1x2048xf32>
    %squeeze3A_316 = vector.shape_cast %slice3A_315 : vector<1x1x1x2048xf32> to vector<2048xf32>
    %broadcast_in_dim3A_317 = vector.shape_cast %squeeze3A_316 : vector<2048xf32> to vector<1x2048xf32>
    %slice3A_318 = vector.extract_strided_slice %reduce_sum3A_38 {offsets = [4, 4, 4, 0], sizes = [1, 1, 1, 2048], strides = [1, 1, 1, 1]} : vector<5x5x5x2048xf32> to vector<1x1x1x2048xf32>
    %squeeze3A_319 = vector.shape_cast %slice3A_318 : vector<1x1x1x2048xf32> to vector<2048xf32>
    %broadcast_in_dim3A_320 = vector.shape_cast %squeeze3A_319 : vector<2048xf32> to vector<1x2048xf32>
    %slice3A_321 = vector.extract_strided_slice %reduce_sum3A_52 {offsets = [0, 0, 0, 0], sizes = [1, 1, 5, 2048], strides = [1, 1, 1, 1]} : vector<5x5x5x2048xf32> to vector<1x1x5x2048xf32>
    %squeeze3A_322 = vector.shape_cast %slice3A_321 : vector<1x1x5x2048xf32> to vector<5x2048xf32>
    %slice3A_323 = vector.extract_strided_slice %reduce_sum3A_52 {offsets = [1, 0, 0, 0], sizes = [1, 1, 5, 2048], strides = [1, 1, 1, 1]} : vector<5x5x5x2048xf32> to vector<1x1x5x2048xf32>
    %squeeze3A_324 = vector.shape_cast %slice3A_323 : vector<1x1x5x2048xf32> to vector<5x2048xf32>
    %slice3A_325 = vector.extract_strided_slice %reduce_sum3A_52 {offsets = [1, 1, 0, 0], sizes = [1, 1, 5, 2048], strides = [1, 1, 1, 1]} : vector<5x5x5x2048xf32> to vector<1x1x5x2048xf32>
    %squeeze3A_326 = vector.shape_cast %slice3A_325 : vector<1x1x5x2048xf32> to vector<5x2048xf32>
    %slice3A_327 = vector.extract_strided_slice %reduce_sum3A_52 {offsets = [2, 0, 0, 0], sizes = [1, 1, 5, 2048], strides = [1, 1, 1, 1]} : vector<5x5x5x2048xf32> to vector<1x1x5x2048xf32>
    %squeeze3A_328 = vector.shape_cast %slice3A_327 : vector<1x1x5x2048xf32> to vector<5x2048xf32>
    %slice3A_329 = vector.extract_strided_slice %reduce_sum3A_52 {offsets = [2, 1, 0, 0], sizes = [1, 1, 5, 2048], strides = [1, 1, 1, 1]} : vector<5x5x5x2048xf32> to vector<1x1x5x2048xf32>
    %squeeze3A_330 = vector.shape_cast %slice3A_329 : vector<1x1x5x2048xf32> to vector<5x2048xf32>
    %slice3A_331 = vector.extract_strided_slice %reduce_sum3A_52 {offsets = [2, 2, 0, 0], sizes = [1, 1, 5, 2048], strides = [1, 1, 1, 1]} : vector<5x5x5x2048xf32> to vector<1x1x5x2048xf32>
    %squeeze3A_332 = vector.shape_cast %slice3A_331 : vector<1x1x5x2048xf32> to vector<5x2048xf32>
    %slice3A_333 = vector.extract_strided_slice %reduce_sum3A_52 {offsets = [3, 0, 0, 0], sizes = [1, 1, 5, 2048], strides = [1, 1, 1, 1]} : vector<5x5x5x2048xf32> to vector<1x1x5x2048xf32>
    %squeeze3A_334 = vector.shape_cast %slice3A_333 : vector<1x1x5x2048xf32> to vector<5x2048xf32>
    %slice3A_335 = vector.extract_strided_slice %reduce_sum3A_52 {offsets = [3, 1, 0, 0], sizes = [1, 1, 5, 2048], strides = [1, 1, 1, 1]} : vector<5x5x5x2048xf32> to vector<1x1x5x2048xf32>
    %squeeze3A_336 = vector.shape_cast %slice3A_335 : vector<1x1x5x2048xf32> to vector<5x2048xf32>
    %slice3A_337 = vector.extract_strided_slice %reduce_sum3A_52 {offsets = [3, 2, 0, 0], sizes = [1, 1, 5, 2048], strides = [1, 1, 1, 1]} : vector<5x5x5x2048xf32> to vector<1x1x5x2048xf32>
    %squeeze3A_338 = vector.shape_cast %slice3A_337 : vector<1x1x5x2048xf32> to vector<5x2048xf32>
    %slice3A_339 = vector.extract_strided_slice %reduce_sum3A_52 {offsets = [3, 3, 0, 0], sizes = [1, 1, 5, 2048], strides = [1, 1, 1, 1]} : vector<5x5x5x2048xf32> to vector<1x1x5x2048xf32>
    %squeeze3A_340 = vector.shape_cast %slice3A_339 : vector<1x1x5x2048xf32> to vector<5x2048xf32>
    %slice3A_341 = vector.extract_strided_slice %reduce_sum3A_52 {offsets = [4, 0, 0, 0], sizes = [1, 1, 5, 2048], strides = [1, 1, 1, 1]} : vector<5x5x5x2048xf32> to vector<1x1x5x2048xf32>
    %squeeze3A_342 = vector.shape_cast %slice3A_341 : vector<1x1x5x2048xf32> to vector<5x2048xf32>
    %slice3A_343 = vector.extract_strided_slice %reduce_sum3A_52 {offsets = [4, 1, 0, 0], sizes = [1, 1, 5, 2048], strides = [1, 1, 1, 1]} : vector<5x5x5x2048xf32> to vector<1x1x5x2048xf32>
    %squeeze3A_344 = vector.shape_cast %slice3A_343 : vector<1x1x5x2048xf32> to vector<5x2048xf32>
    %slice3A_345 = vector.extract_strided_slice %reduce_sum3A_52 {offsets = [4, 2, 0, 0], sizes = [1, 1, 5, 2048], strides = [1, 1, 1, 1]} : vector<5x5x5x2048xf32> to vector<1x1x5x2048xf32>
    %squeeze3A_346 = vector.shape_cast %slice3A_345 : vector<1x1x5x2048xf32> to vector<5x2048xf32>
    %slice3A_347 = vector.extract_strided_slice %reduce_sum3A_52 {offsets = [4, 3, 0, 0], sizes = [1, 1, 5, 2048], strides = [1, 1, 1, 1]} : vector<5x5x5x2048xf32> to vector<1x1x5x2048xf32>
    %squeeze3A_348 = vector.shape_cast %slice3A_347 : vector<1x1x5x2048xf32> to vector<5x2048xf32>
    %slice3A_349 = vector.extract_strided_slice %reduce_sum3A_52 {offsets = [4, 4, 0, 0], sizes = [1, 1, 5, 2048], strides = [1, 1, 1, 1]} : vector<5x5x5x2048xf32> to vector<1x1x5x2048xf32>
    %squeeze3A_350 = vector.shape_cast %slice3A_349 : vector<1x1x5x2048xf32> to vector<5x2048xf32>
    %slice3A_351 = vector.extract_strided_slice %reduce_sum3A_66 {offsets = [0, 0, 0, 0], sizes = [1, 1, 5, 2048], strides = [1, 1, 1, 1]} : vector<5x5x5x2048xf32> to vector<1x1x5x2048xf32>
    %squeeze3A_352 = vector.shape_cast %slice3A_351 : vector<1x1x5x2048xf32> to vector<5x2048xf32>
    %slice3A_353 = vector.extract_strided_slice %reduce_sum3A_66 {offsets = [1, 0, 0, 0], sizes = [1, 1, 5, 2048], strides = [1, 1, 1, 1]} : vector<5x5x5x2048xf32> to vector<1x1x5x2048xf32>
    %squeeze3A_354 = vector.shape_cast %slice3A_353 : vector<1x1x5x2048xf32> to vector<5x2048xf32>
    %slice3A_355 = vector.extract_strided_slice %reduce_sum3A_66 {offsets = [1, 1, 0, 0], sizes = [1, 1, 5, 2048], strides = [1, 1, 1, 1]} : vector<5x5x5x2048xf32> to vector<1x1x5x2048xf32>
    %squeeze3A_356 = vector.shape_cast %slice3A_355 : vector<1x1x5x2048xf32> to vector<5x2048xf32>
    %slice3A_357 = vector.extract_strided_slice %reduce_sum3A_66 {offsets = [2, 0, 0, 0], sizes = [1, 1, 5, 2048], strides = [1, 1, 1, 1]} : vector<5x5x5x2048xf32> to vector<1x1x5x2048xf32>
    %squeeze3A_358 = vector.shape_cast %slice3A_357 : vector<1x1x5x2048xf32> to vector<5x2048xf32>
    %slice3A_359 = vector.extract_strided_slice %reduce_sum3A_66 {offsets = [2, 1, 0, 0], sizes = [1, 1, 5, 2048], strides = [1, 1, 1, 1]} : vector<5x5x5x2048xf32> to vector<1x1x5x2048xf32>
    %squeeze3A_360 = vector.shape_cast %slice3A_359 : vector<1x1x5x2048xf32> to vector<5x2048xf32>
    %slice3A_361 = vector.extract_strided_slice %reduce_sum3A_66 {offsets = [2, 2, 0, 0], sizes = [1, 1, 5, 2048], strides = [1, 1, 1, 1]} : vector<5x5x5x2048xf32> to vector<1x1x5x2048xf32>
    %squeeze3A_362 = vector.shape_cast %slice3A_361 : vector<1x1x5x2048xf32> to vector<5x2048xf32>
    %slice3A_363 = vector.extract_strided_slice %reduce_sum3A_66 {offsets = [3, 0, 0, 0], sizes = [1, 1, 5, 2048], strides = [1, 1, 1, 1]} : vector<5x5x5x2048xf32> to vector<1x1x5x2048xf32>
    %squeeze3A_364 = vector.shape_cast %slice3A_363 : vector<1x1x5x2048xf32> to vector<5x2048xf32>
    %slice3A_365 = vector.extract_strided_slice %reduce_sum3A_66 {offsets = [3, 1, 0, 0], sizes = [1, 1, 5, 2048], strides = [1, 1, 1, 1]} : vector<5x5x5x2048xf32> to vector<1x1x5x2048xf32>
    %squeeze3A_366 = vector.shape_cast %slice3A_365 : vector<1x1x5x2048xf32> to vector<5x2048xf32>
    %slice3A_367 = vector.extract_strided_slice %reduce_sum3A_66 {offsets = [3, 2, 0, 0], sizes = [1, 1, 5, 2048], strides = [1, 1, 1, 1]} : vector<5x5x5x2048xf32> to vector<1x1x5x2048xf32>
    %squeeze3A_368 = vector.shape_cast %slice3A_367 : vector<1x1x5x2048xf32> to vector<5x2048xf32>
    %slice3A_369 = vector.extract_strided_slice %reduce_sum3A_66 {offsets = [3, 3, 0, 0], sizes = [1, 1, 5, 2048], strides = [1, 1, 1, 1]} : vector<5x5x5x2048xf32> to vector<1x1x5x2048xf32>
    %squeeze3A_370 = vector.shape_cast %slice3A_369 : vector<1x1x5x2048xf32> to vector<5x2048xf32>
    %slice3A_371 = vector.extract_strided_slice %reduce_sum3A_66 {offsets = [4, 0, 0, 0], sizes = [1, 1, 5, 2048], strides = [1, 1, 1, 1]} : vector<5x5x5x2048xf32> to vector<1x1x5x2048xf32>
    %squeeze3A_372 = vector.shape_cast %slice3A_371 : vector<1x1x5x2048xf32> to vector<5x2048xf32>
    %slice3A_373 = vector.extract_strided_slice %reduce_sum3A_66 {offsets = [4, 1, 0, 0], sizes = [1, 1, 5, 2048], strides = [1, 1, 1, 1]} : vector<5x5x5x2048xf32> to vector<1x1x5x2048xf32>
    %squeeze3A_374 = vector.shape_cast %slice3A_373 : vector<1x1x5x2048xf32> to vector<5x2048xf32>
    %slice3A_375 = vector.extract_strided_slice %reduce_sum3A_66 {offsets = [4, 2, 0, 0], sizes = [1, 1, 5, 2048], strides = [1, 1, 1, 1]} : vector<5x5x5x2048xf32> to vector<1x1x5x2048xf32>
    %squeeze3A_376 = vector.shape_cast %slice3A_375 : vector<1x1x5x2048xf32> to vector<5x2048xf32>
    %slice3A_377 = vector.extract_strided_slice %reduce_sum3A_66 {offsets = [4, 3, 0, 0], sizes = [1, 1, 5, 2048], strides = [1, 1, 1, 1]} : vector<5x5x5x2048xf32> to vector<1x1x5x2048xf32>
    %squeeze3A_378 = vector.shape_cast %slice3A_377 : vector<1x1x5x2048xf32> to vector<5x2048xf32>
    %slice3A_379 = vector.extract_strided_slice %reduce_sum3A_66 {offsets = [4, 4, 0, 0], sizes = [1, 1, 5, 2048], strides = [1, 1, 1, 1]} : vector<5x5x5x2048xf32> to vector<1x1x5x2048xf32>
    %squeeze3A_380 = vector.shape_cast %slice3A_379 : vector<1x1x5x2048xf32> to vector<5x2048xf32>
    %reshape3A_381 = vector.shape_cast %reduce_sum3A_80 : vector<5x5x5x2048xf32> to vector<125x2048xf32>
    %concatenate3A = tpu.concatenate %squeeze3A, %broadcast_in_dim3A_83, %broadcast_in_dim3A_86, %broadcast_in_dim3A_89, %broadcast_in_dim3A_92, %broadcast_in_dim3A_95, %broadcast_in_dim3A_98, %broadcast_in_dim3A_101, %broadcast_in_dim3A_104, %broadcast_in_dim3A_107, %broadcast_in_dim3A_110, %broadcast_in_dim3A_113, %broadcast_in_dim3A_116, %broadcast_in_dim3A_119, %broadcast_in_dim3A_122, %broadcast_in_dim3A_125, %broadcast_in_dim3A_128, %broadcast_in_dim3A_131, %broadcast_in_dim3A_134, %broadcast_in_dim3A_137, %broadcast_in_dim3A_140, %broadcast_in_dim3A_143, %broadcast_in_dim3A_146, %broadcast_in_dim3A_149, %broadcast_in_dim3A_152, %broadcast_in_dim3A_155, %broadcast_in_dim3A_158, %broadcast_in_dim3A_161, %broadcast_in_dim3A_164, %broadcast_in_dim3A_167, %broadcast_in_dim3A_170, %broadcast_in_dim3A_173, %broadcast_in_dim3A_176, %broadcast_in_dim3A_179, %broadcast_in_dim3A_182, %broadcast_in_dim3A_185, %broadcast_in_dim3A_188, %broadcast_in_dim3A_191, %broadcast_in_dim3A_194, %broadcast_in_dim3A_197, %broadcast_in_dim3A_200, %broadcast_in_dim3A_203, %broadcast_in_dim3A_206, %broadcast_in_dim3A_209, %broadcast_in_dim3A_212, %broadcast_in_dim3A_215, %broadcast_in_dim3A_218, %broadcast_in_dim3A_221, %broadcast_in_dim3A_224, %broadcast_in_dim3A_227, %broadcast_in_dim3A_230, %broadcast_in_dim3A_233, %broadcast_in_dim3A_236, %broadcast_in_dim3A_239, %broadcast_in_dim3A_242, %broadcast_in_dim3A_245, %broadcast_in_dim3A_248, %broadcast_in_dim3A_251, %broadcast_in_dim3A_254, %broadcast_in_dim3A_257, %broadcast_in_dim3A_260, %broadcast_in_dim3A_263, %broadcast_in_dim3A_266, %broadcast_in_dim3A_269, %broadcast_in_dim3A_272, %broadcast_in_dim3A_275, %broadcast_in_dim3A_278, %broadcast_in_dim3A_281, %broadcast_in_dim3A_284, %broadcast_in_dim3A_287, %broadcast_in_dim3A_290, %broadcast_in_dim3A_293, %broadcast_in_dim3A_296, %broadcast_in_dim3A_299, %broadcast_in_dim3A_302, %broadcast_in_dim3A_305, %broadcast_in_dim3A_308, %broadcast_in_dim3A_311, %broadcast_in_dim3A_314, %broadcast_in_dim3A_317, %broadcast_in_dim3A_320, %squeeze3A_322, %squeeze3A_324, %squeeze3A_326, %squeeze3A_328, %squeeze3A_330, %squeeze3A_332, %squeeze3A_334, %squeeze3A_336, %squeeze3A_338, %squeeze3A_340, %squeeze3A_342, %squeeze3A_344, %squeeze3A_346, %squeeze3A_348, %squeeze3A_350, %squeeze3A_352, %squeeze3A_354, %squeeze3A_356, %squeeze3A_358, %squeeze3A_360, %squeeze3A_362, %squeeze3A_364, %squeeze3A_366, %squeeze3A_368, %squeeze3A_370, %squeeze3A_372, %squeeze3A_374, %squeeze3A_376, %squeeze3A_378, %squeeze3A_380, %reshape3A_381 in 0 : vector<5x2048xf32>, vector<1x2048xf32>, vector<1x2048xf32>, vector<1x2048xf32>, vector<1x2048xf32>, vector<1x2048xf32>, vector<1x2048xf32>, vector<1x2048xf32>, vector<1x2048xf32>, vector<1x2048xf32>, vector<1x2048xf32>, vector<1x2048xf32>, vector<1x2048xf32>, vector<1x2048xf32>, vector<1x2048xf32>, vector<1x2048xf32>, vector<1x2048xf32>, vector<1x2048xf32>, vector<1x2048xf32>, vector<1x2048xf32>, vector<1x2048xf32>, vector<1x2048xf32>, vector<1x2048xf32>, vector<1x2048xf32>, vector<1x2048xf32>, vector<1x2048xf32>, vector<1x2048xf32>, vector<1x2048xf32>, vector<1x2048xf32>, vector<1x2048xf32>, vector<1x2048xf32>, vector<1x2048xf32>, vector<1x2048xf32>, vector<1x2048xf32>, vector<1x2048xf32>, vector<1x2048xf32>, vector<1x2048xf32>, vector<1x2048xf32>, vector<1x2048xf32>, vector<1x2048xf32>, vector<1x2048xf32>, vector<1x2048xf32>, vector<1x2048xf32>, vector<1x2048xf32>, vector<1x2048xf32>, vector<1x2048xf32>, vector<1x2048xf32>, vector<1x2048xf32>, vector<1x2048xf32>, vector<1x2048xf32>, vector<1x2048xf32>, vector<1x2048xf32>, vector<1x2048xf32>, vector<1x2048xf32>, vector<1x2048xf32>, vector<1x2048xf32>, vector<1x2048xf32>, vector<1x2048xf32>, vector<1x2048xf32>, vector<1x2048xf32>, vector<1x2048xf32>, vector<1x2048xf32>, vector<1x2048xf32>, vector<1x2048xf32>, vector<1x2048xf32>, vector<1x2048xf32>, vector<1x2048xf32>, vector<1x2048xf32>, vector<1x2048xf32>, vector<1x2048xf32>, vector<1x2048xf32>, vector<1x2048xf32>, vector<1x2048xf32>, vector<1x2048xf32>, vector<1x2048xf32>, vector<1x2048xf32>, vector<1x2048xf32>, vector<1x2048xf32>, vector<1x2048xf32>, vector<1x2048xf32>, vector<1x2048xf32>, vector<5x2048xf32>, vector<5x2048xf32>, vector<5x2048xf32>, vector<5x2048xf32>, vector<5x2048xf32>, vector<5x2048xf32>, vector<5x2048xf32>, vector<5x2048xf32>, vector<5x2048xf32>, vector<5x2048xf32>, vector<5x2048xf32>, vector<5x2048xf32>, vector<5x2048xf32>, vector<5x2048xf32>, vector<5x2048xf32>, vector<5x2048xf32>, vector<5x2048xf32>, vector<5x2048xf32>, vector<5x2048xf32>, vector<5x2048xf32>, vector<5x2048xf32>, vector<5x2048xf32>, vector<5x2048xf32>, vector<5x2048xf32>, vector<5x2048xf32>, vector<5x2048xf32>, vector<5x2048xf32>, vector<5x2048xf32>, vector<5x2048xf32>, vector<5x2048xf32>, vector<125x2048xf32> -> vector<360x2048xf32>
    %get3A_382 = arith.constant 0 : index
    %get3A_383 = arith.constant 0 : index
    %get3A_384 = vector.load %arg2[%get3A_382, %get3A_383] : memref<512x360xf32, #tpu.memory_space<vmem>>, vector<512x360xf32>
    %dot_general3A = arith.constant dense<0.000000e+00> : vector<512x2048xf32>
    %dot_general3A_385 = tpu.matmul %get3A_384, %concatenate3A, %dot_general3A {dimension_numbers = #tpu.dot_dimension_numbers<[1], [0], [0], [1], [0, 0, 1, 1], [], []>, transpose_lhs_hint = false} : vector<512x360xf32>, vector<360x2048xf32>, vector<512x2048xf32> -> vector<512x2048xf32>
    %mul3A_386 = arith.constant 0.0527046286 : f32
    %mul3A_387 = vector.broadcast %mul3A_386 : f32 to vector<512x2048xf32>
    %mul3A_388 = arith.mulf %dot_general3A_385, %mul3A_387 : vector<512x2048xf32>
    %get3A_389 = arith.constant 0 : index
    %get3A_390 = arith.constant 0 : index
    %get3A_391 = vector.load %arg3[%get3A_389, %get3A_390] : memref<512x1xf32, #tpu.memory_space<vmem>>, vector<512x1xf32>
    %mul3A_392 = arith.constant 1.000000e-01 : f32
    %mul3A_393 = vector.broadcast %mul3A_392 : f32 to vector<512x1xf32>
    %mul3A_394 = arith.mulf %mul3A_393, %get3A_391 : vector<512x1xf32>
    %add3A = vector.broadcast %mul3A_394 : vector<512x1xf32> to vector<512x2048xf32>
    %add3A_395 = arith.addf %mul3A_388, %add3A : vector<512x2048xf32>
    %logistic3A = arith.negf %add3A_395 : vector<512x2048xf32>
    %logistic3A_396 = math.exp %logistic3A : vector<512x2048xf32>
    %logistic3A_397 = arith.constant 1.000000e+00 : f32
    %logistic3A_398 = vector.broadcast %logistic3A_397 : f32 to vector<512x2048xf32>
    %logistic3A_399 = arith.addf %logistic3A_398, %logistic3A_396 : vector<512x2048xf32>
    %logistic3A_400 = arith.divf %logistic3A_398, %logistic3A_399 : vector<512x2048xf32>
    %mul3A_401 = arith.mulf %add3A_395, %logistic3A_400 : vector<512x2048xf32>
    %get3A_402 = arith.constant 0 : index
    %get3A_403 = arith.constant 0 : index
    %get3A_404 = vector.load %arg4[%get3A_402, %get3A_403] : memref<512x512xf32, #tpu.memory_space<vmem>>, vector<512x512xf32>
    %dot_general3A_405 = arith.constant dense<0.000000e+00> : vector<512x2048xf32>
    %dot_general3A_406 = tpu.matmul %get3A_404, %mul3A_401, %dot_general3A_405 {dimension_numbers = #tpu.dot_dimension_numbers<[1], [0], [0], [1], [0, 0, 1, 1], [], []>, transpose_lhs_hint = false} : vector<512x512xf32>, vector<512x2048xf32>, vector<512x2048xf32> -> vector<512x2048xf32>
    %mul3A_407 = arith.constant 0.0441941731 : f32
    %mul3A_408 = vector.broadcast %mul3A_407 : f32 to vector<512x2048xf32>
    %mul3A_409 = arith.mulf %dot_general3A_406, %mul3A_408 : vector<512x2048xf32>
    %get3A_410 = arith.constant 0 : index
    %get3A_411 = arith.constant 0 : index
    %get3A_412 = vector.load %arg5[%get3A_410, %get3A_411] : memref<512x1xf32, #tpu.memory_space<vmem>>, vector<512x1xf32>
    %mul3A_413 = arith.constant 1.000000e-01 : f32
    %mul3A_414 = vector.broadcast %mul3A_413 : f32 to vector<512x1xf32>
    %mul3A_415 = arith.mulf %mul3A_414, %get3A_412 : vector<512x1xf32>
    %add3A_416 = vector.broadcast %mul3A_415 : vector<512x1xf32> to vector<512x2048xf32>
    %add3A_417 = arith.addf %mul3A_409, %add3A_416 : vector<512x2048xf32>
    %logistic3A_418 = arith.negf %add3A_417 : vector<512x2048xf32>
    %logistic3A_419 = math.exp %logistic3A_418 : vector<512x2048xf32>
    %logistic3A_420 = arith.constant 1.000000e+00 : f32
    %logistic3A_421 = vector.broadcast %logistic3A_420 : f32 to vector<512x2048xf32>
    %logistic3A_422 = arith.addf %logistic3A_421, %logistic3A_419 : vector<512x2048xf32>
    %logistic3A_423 = arith.divf %logistic3A_421, %logistic3A_422 : vector<512x2048xf32>
    %mul3A_424 = arith.mulf %add3A_417, %logistic3A_423 : vector<512x2048xf32>
    %get3A_425 = arith.constant 0 : index
    %get3A_426 = arith.constant 0 : index
    %get3A_427 = vector.load %arg6[%get3A_425, %get3A_426] : memref<1x512xf32, #tpu.memory_space<vmem>>, vector<1x512xf32>
    %dot_general3A_428 = arith.constant dense<0.000000e+00> : vector<1x2048xf32>
    %dot_general3A_429 = tpu.matmul %get3A_427, %mul3A_424, %dot_general3A_428 {dimension_numbers = #tpu.dot_dimension_numbers<[1], [0], [0], [1], [0, 0, 1, 1], [], []>, transpose_lhs_hint = false} : vector<1x512xf32>, vector<512x2048xf32>, vector<1x2048xf32> -> vector<1x2048xf32>
    %mul3A_430 = arith.constant 0.0441941731 : f32
    %mul3A_431 = vector.broadcast %mul3A_430 : f32 to vector<1x2048xf32>
    %mul3A_432 = arith.mulf %dot_general3A_429, %mul3A_431 : vector<1x2048xf32>
    %get3A_433 = arith.constant 0 : index
    %get3A_434 = arith.constant 0 : index
    %get3A_435 = vector.load %arg7[%get3A_433, %get3A_434] : memref<1x1xf32, #tpu.memory_space<vmem>>, vector<1x1xf32>
    %mul3A_436 = arith.constant 1.000000e-01 : f32
    %mul3A_437 = vector.broadcast %mul3A_436 : f32 to vector<1x1xf32>
    %mul3A_438 = arith.mulf %mul3A_437, %get3A_435 : vector<1x1xf32>
    %add3A_439 = vector.broadcast %mul3A_438 : vector<1x1xf32> to vector<1x2048xf32>
    %add3A_440 = arith.addf %mul3A_432, %add3A_439 : vector<1x2048xf32>
    %get3A_441 = arith.constant 0 : index
    %get3A_442 = arith.constant 0 : index
    %get3A_443 = vector.load %arg8[%get3A_441, %get3A_442] : memref<1x2048xf32, #tpu.memory_space<vmem>>, vector<1x2048xf32>
    %mul3A_444 = arith.mulf %get3A_443, %add3A_440 : vector<1x2048xf32>
    %get3A_445 = arith.constant 0 : index
    %get3A_446 = arith.constant 0 : index
    %get3A_447 = vector.load %arg9[%get3A_445, %get3A_446] : memref<1x2048xf32, #tpu.memory_space<vmem>>, vector<1x2048xf32>
    %add3A_448 = arith.addf %mul3A_444, %get3A_447 : vector<1x2048xf32>
    %get3A_449 = arith.constant 0 : index
    %get3A_450 = arith.constant 0 : index
    %get3A_451 = vector.load %arg10[%get3A_449, %get3A_450] : memref<1x2048xf32, #tpu.memory_space<vmem>>, vector<1x2048xf32>
    %gt3A = arith.constant 0.000000e+00 : f32
    %gt3A_452 = vector.broadcast %gt3A : f32 to vector<1x2048xf32>
    %gt3A_453 = arith.cmpf ogt, %get3A_451, %gt3A_452 : vector<1x2048xf32>
    %jit3A = arith.constant 0.000000e+00 : f32
    %broadcast_in_dim3A_454 = vector.broadcast %jit3A : f32 to vector<1x2048xf32>
    %select_n3A = arith.select %gt3A_453, %add3A_448, %broadcast_in_dim3A_454 : vector<1x2048xi1>, vector<1x2048xf32>
    %swap3A = arith.constant 0 : index
    %swap3A_455 = arith.constant 0 : index
    %swap3A_456 = vector.load %arg11[%swap3A, %swap3A_455] : memref<1x2048xf32, #tpu.memory_space<vmem>>, vector<1x2048xf32>
    tpu.vector_store %arg11[%swap3A, %swap3A_455], %select_n3A {strides = array<i32>} : memref<1x2048xf32, #tpu.memory_space<vmem>>, vector<1x2048xf32>,
    return
  }
  func.func @transform_0(%arg0: i32) -> (i32, i32) {
    %c0_i32 = arith.constant 0 : i32
    %c0_i32_0 = arith.constant 0 : i32
    return %c0_i32, %arg0 : i32, i32
  }
  func.func @transform_1(%arg0: i32) -> (i32, i32) {
    %c0_i32 = arith.constant 0 : i32
    %c0_i32_0 = arith.constant 0 : i32
    %c0_i32_1 = arith.constant 0 : i32
    return %c0_i32, %c0_i32_0 : i32, i32
  }
  func.func @transform_2(%arg0: i32) -> (i32, i32) {
    %c0_i32 = arith.constant 0 : i32
    %c0_i32_0 = arith.constant 0 : i32
    %c0_i32_1 = arith.constant 0 : i32
    return %c0_i32, %c0_i32_0 : i32, i32
  }
  func.func @transform_3(%arg0: i32) -> (i32, i32) {
    %c0_i32 = arith.constant 0 : i32
    %c0_i32_0 = arith.constant 0 : i32
    %c0_i32_1 = arith.constant 0 : i32
    return %c0_i32, %c0_i32_0 : i32, i32
  }
  func.func @transform_4(%arg0: i32) -> (i32, i32) {
    %c0_i32 = arith.constant 0 : i32
    %c0_i32_0 = arith.constant 0 : i32
    %c0_i32_1 = arith.constant 0 : i32
    return %c0_i32, %c0_i32_0 : i32, i32
  }
  func.func @transform_5(%arg0: i32) -> (i32, i32) {
    %c0_i32 = arith.constant 0 : i32
    %c0_i32_0 = arith.constant 0 : i32
    %c0_i32_1 = arith.constant 0 : i32
    return %c0_i32, %c0_i32_0 : i32, i32
  }
  func.func @transform_6(%arg0: i32) -> (i32, i32) {
    %c0_i32 = arith.constant 0 : i32
    %c0_i32_0 = arith.constant 0 : i32
    %c0_i32_1 = arith.constant 0 : i32
    return %c0_i32, %c0_i32_0 : i32, i32
  }
  func.func @transform_7(%arg0: i32) -> (i32, i32) {
    %c0_i32 = arith.constant 0 : i32
    %c0_i32_0 = arith.constant 0 : i32
    return %c0_i32, %arg0 : i32, i32
  }
  func.func @transform_8(%arg0: i32) -> (i32, i32) {
    %c0_i32 = arith.constant 0 : i32
    %c0_i32_0 = arith.constant 0 : i32
    return %c0_i32, %arg0 : i32, i32
  }
  func.func @transform_9(%arg0: i32) -> (i32, i32) {
    %c0_i32 = arith.constant 0 : i32
    %c0_i32_0 = arith.constant 0 : i32
    return %c0_i32, %arg0 : i32, i32
  }
  func.func @transform_10(%arg0: i32) -> (i32, i32) {
    %c0_i32 = arith.constant 0 : i32
    %c0_i32_0 = arith.constant 0 : i32
    return %c0_i32, %arg0 : i32, i32
  }
}

</mosaic_0001>

<sc_bundles>
// kernel: sparse-core-data-format-call.cloned.1.call-start
scs
called_computation_lowered:
.L_overlay_start_0:
0x0: {  	s1 =	sld [smem:$0x3FD9]  }
0x1: {  	s2 =	sld [smem:$0x3FFE];
	_ =	sdelay $0x1  }
0x2: {  	s3 =	srdreg.scid  }
0x3: {  	s0 =	sand.u32 $0x1, s3  }
0x4: {  	s17 =	sshll.u32 s0, $0xA;
	s1 =	sadd.s32 s2, s1  }
0x5: {  	s1 =	sadd.s32 s1, s17  }
0x6: {  	[smem:$0x3FBC] =	sst s1  }
0x7: {  	_ = 	snop  }
0x8: {  	(tm) =	ssettm $0x1  }
0x9: {  	s18 =	sld [smem:$0x3FFB];
	_ =	sdelay $0x3  }
0xa: {  	_ =	strace s18  }
0xb: {  	s1 =	sld [smem:$0x3FFC];
	_ =	sdelay $0x3  }
0xc: {  	_ =	strace s1  }
0xd: {  	s1 =	sld [smem:$0x3FFD];
	_ =	sdelay $0x3  }
0xe: {  	_ =	strace s1  }
0xf: {  	_ =	strace $0x8FFFFFFF  }
0x10: {  	s19 =	sld [smem:$0x3FDB];
	_ =	sdelay $0x1  }
0x11: {  	s20 =	simm.s32 $_scs_section_size  }
0x12: {  	s4 =	simm.s32 $_size__tile_overlayer_lowered;
	s5 =	simm.s32 $_tile_overlayer_lowered  }
0x13: {  	s23 =	simm.s32 $0x1BFF;
	s22 =	sshll.u32 s5, $0x1;
	s1 =	sadd.s32 s20, s19  }
0x14: {  	s6 =	simm.s32 $0x0;
	s21 =	sshll.u32 s4, $0x1;
	s4 =	sadd.s32 s22, s1  }
0x15: {  	[timem:s6], [sflag:s23] =	dma.local [hbm:s4], s21  }
0x16: {  	_ =	swait.ge [sflag:s23], s21  }
0x17: {  	s2 =	ssub.s32 $0x0, s21;
	[sflag:s23] =	ssyncset.done $0x0  }
0x18: {  	[sflag:s23] =	ssyncadd.s32 s2;
	_ =	sdelay $0x1  }
0x19: {  	s24 =	simm.s32 $0x1B8B  }
0x1a: {  	_ =	swait.ge [sflag:s24], $0x1  }
0x1b: {  	[sflag:s24] =	ssyncset.done $0x0  }
0x1c: {  	s26 =	simm.s32 $0x1B8E;
	s25 =	sld [smem:$0x3FFE];
	[sflag:s24] =	ssyncadd.s32 $0xFFFFFFFF  }
0x1d: {  	s27 =	simm.s32 $execute0_lowered;
	[smem:$0x3FD2] =	sst s26  }
0x1e: {  	s4 =	sshll.u32 s27, $0x1;
	_ =	strace $0x80000046;
	[dreg:$0x1] =	wrdreg $0xFFFFFFFF  }
0x1f: {  	s28 =	simm.s32 $_size_execute0_lowered;
	s1 =	sadd.s32 s1, s4;
	[dreg:$0x0] =	wrdreg $0x0  }
0x20: {  	s4 =	sshll.u32 s28, $0x1;
	[dreg:$0x2] =	wrdreg s1  }
0x21: {  	[dreg:$0x3] =	wrdreg s4  }
0x22: {  	[dreg:$0x4] =	wrdreg $0xC0  }
0x23: {  	_ =	task [dreg:s6], $0x5FFFF  }
0x24: {  	[dreg:$0x1] =	wrdreg $0xFFFFFFFF  }
0x25: {  	[dreg:$0x0] =	wrdreg $0x60  }
0x26: {  	[dreg:$0x2] =	wrdreg s25  }
0x27: {  	[dreg:$0x3] =	wrdreg $0x9  }
0x28: {  	_ =	task.clear_ibuf [dreg:s6], $0x4FFFF;
	_ =	strace $0x90000046  }
0x29: {  	s29 =	simm.s32 $0x9;
	_ =	strace $0x80000048  }
0x2a: {  	_ =	swait.ge [sflag:s29], $0x1  }
0x2b: {  	[sflag:s29] =	ssyncadd.s32 $0xFFFFFFFF  }
0x2c: {  	_ =	strace $0x90000048  }
0x2d: {  	_ =	sfence  }
0x2e: {  	s30 =	sld [smem:$0x0];
	_ =	sdelay $0x2  }
0x2f: {  	s31 =	sshll.u32 s3, $0xD;
	s3 =	sshrl.u32 s3, $0x2  }
0x30: {  	s2 =	sand.u32 $0x4000, s31;
	s1 =	sadd.s32 s3, s30  }
0x31: {  	s0 =	sor.u32 s2, s0;
	s1 =	sshll.u32 s1, $0x11  }
0x32: {  	s0 =	sor.u32 s1, s0  }
0x33: {  	s0 =	sadd.s32 $0x8F2B, s0  }
0x34: {  	[sflag:s0] =	ssyncadd.remote.s32 $0x1  }
0x35: {  	_ =	sfence.sel $0xFFFF  }
0x36: {  	[dreg:$0x0] =	wrdreg $0xFFFFFFFF;
	(pc) =	sbr.abs _section_cstart, $3  }
0x37: {  	[dreg:$0x1] =	wrdreg $0xFFFFFFFF  }
0x38: {  	_ =	task.clear_ibuf [dreg:s6], $0x2FFFF;
	_ =	strace $0x9FFFFFFF  }
0x39: {  	(tm) =	ssettm $0x7FFFFFFF  }
tec
execute0_lowered:
.L_overlay_start_1:
0x0: {  	(tag) =	ssettag $0x1  }
0x1: {  	s0 =	srdreg.scid  }
0x2: {  	s5 =	rddreg [dreg:$0x0];
	s1 =	sshll.u32 s0, $0x4  }
0x3: {  	s4 =	simm.s32 $0x1;
	s0 =	stileid.u32;
	s1 =	sand.u32 $0x10, s1  }
0x4: {  	s8 =	simm.s32 $0x2;
	s12 =	simm.s32 $0x0;
	s2 =	sor.u32 s0, s1  }
0x5: {  	s9 =	simm.s32 $0x0;
	s11 =	simm.s32 $0x0;
	s2 =	sshll.u32 s2, $0x7  }
0x6: {  	s3 =	sadd.s32 $0x15A00, s5;
	s5 =	sadd.s32 $0x4F7A00, s5;
	s6 =	ssub.s32 $0x4E200, s2  }
.Ltmp0:
0x7: {  	s1 =	rddreg [dreg:$0x1];
	s7 =	sand.u32 $0xF80, s6;
	(pc) =	sbr.rel .LBB1_1-.Ltmp0, $4  }
0x8: {  	_ =	strace $0x80000047;
	p0 =	sne.s32 s7, $0x0;
	s7 =	simm.s32 $0x1  }
0x9: {  	[sflag:s4] =	ssyncpa.u1 $0x0;
	s6 =	sshrl.u32 s6, $0xC;
	s7 =	simm.s32 @!p0 $0x0  }
0xa: {  	[sflag:s8] =	ssyncpa.u1 $0x0;
	s8 =	simm.s32 $0x271000;
	s6 =	sadd.s32 s7, s6  }
0xb: {  	s10 =	smov.u32 s2;
	p0 =	por $0x0, $0x0;
	s7 =	sadd.s32 $0x1, s6  }
.LBB1_4:
0xc: {  	s15 =	sshll.u32 s9, $0x3  }
0xd: {  	s16 =	sand.u32 $0x7F, s9;
	s15 =	sand.u32 $0xFFFFFC00, s15  }
0xe: {  	s16 =	sor.u32 s16, s15;
	s15 =	smulhi.u32 $0xD1B71759, s15;
	_ =	sdelay $0x1  }
0xf: {  	s17 =	smulhi.u32 $0xD1B71759, s16;
	s15 =	sshrl.u32 s15, $0x12  }
0x10: {  	p1 =	sgt.s32 s9, $0x4E180;
	s19 =	smov.u32 s9;
	s18 =	smul.u32 $0xCCD, s15  }
0x11: {  	s20 =	sshra.s32 s9, $0x1F;
	s19 =	simm.s32 @!p1 $0x4E180;
	s17 =	sshrl.u32 s17, $0x12  }
0x12: {  	s20 =	sand.u32 s20, s9;
	s17 =	smul.u32 $0x4E200, s17;
	s18 =	sshrl.u32 s18, $0x11  }
0x13: {  	s27 =	ssub.s32 s19, s20;
	s18 =	smul.u32 $0x28, s18  }
0x14: {  	s28 =	sadd.s32 $0xFFFB1E80, s27  }
0x15: {  	s16 =	ssub.s32 s16, s17;
	s17 =	ssub.s32 $0x4E200, s27;
	s15 =	ssub.s32 s15, s18  }
0x16: {  	p1 =	sgt.s32 s28, $0x7F;
	s17 =	smul.u32 $0xA0, s17;
	s15 =	sand.u32 $0xFFFF, s15  }
0x17: {  	[tilespmem:s14+$0x810 ss:$0x81] =	vst.msk $0xffff, v2;
	s29 =	sshrl.u32 s16, $0x3;
	s16 =	sand.u32 $0x7, s16;
	s15 =	smul.u32 $0x9C40, s15  }
0x18: {  	[tilespmem:s14+$0x1020 ss:$0x81] =	vst.msk $0xffff, v0;
	s18 =	sadd.s32 s5, s29;
	s16 =	sshll.u32 s16, $0x12;
	s17 =	sshrl.u32 s17, $0x2  }
0x19: {  	[tilespmem:s14+$0x0 ss:$0x81] =	vst.msk $0xffff, v1;
	s31 =	sor.u32 $0x400, s16;
	s17 =	simm.s32 @p1 $0x0;
	s30 =	sadd.s32 s15, s18  }
0x1a: {  	[hbm4b:s30+s31] =	stream.strided.scatter [tilespmem:s13], [sflag:$0x2], s17, s8, s31, $0x20;
	[tilespmem:$0x8080] =	vst v63  }
.LBB1_5:
0x1b: {  	p1 =	slt.u32 s11, $0x2  }
0x1c: {  	p2 =	sgt.s32 @!p1 s12, $0x4E180  }
0x1d: {  	s13 =	smov.u32 s12;
	s14 =	sshra.s32 @!p1 s12, $0x1F;
	p2 =	por !p2, p1  }
0x1e: {  	s12 =	sand.u32 @!p1 s14, s12;
	s13 =	simm.s32 @p2 $0x4E180  }
0x1f: {  	s12 =	ssub.s32 @!p1 s13, s12  }
0x20: {  	s13 =	ssub.s32 @!p1 $0x4E200, s12  }
0x21: {  	s12 =	sadd.s32 @!p1 $0xFFFB1E80, s12;
	s13 =	smul.u32 @!p1 $0xA0, s13  }
0x22: {  	p2 =	sgt.s32 @!p1 s12, $0x7F  }
0x23: {  	s14 =	sadd.s32 $0x1000, s10;
	p2 =	por !p2, p1;
	s12 =	sshrl.u32 @!p1 s13, $0x2  }
0x24: {  	s12 =	simm.s32 @!p2 $0x0;
	p2 =	sgt.s32 s14, $0x4E1FF  }
0x25: {  	s14 =	smov.u32 @p2 s2;
	p2 =	sne.s32 s11, s7  }
.Ltmp1:
0x26: {  	_ = 	snop;
	(pc) =	sbr.rel @!p2 .LBB1_6-.Ltmp1, $4  }
0x27: {  	s13 =	simm.s32 @!p1 $0x2  }
0x28: {  	p0 =	por !p0, !p0;
	_ =	swait.ge @!p1 [sflag:s13], s12;
	s15 =	ssub.s32 @!p1 $0x0, s12  }
0x29: {  	s12 =	smov.u32 s9;
	s11 =	sadd.s32 $0x1, s11;
	[sflag:s13] =	ssyncset.done @!p1 $0x0  }
0x2a: {  	s9 =	smov.u32 s10;
	s10 =	smov.u32 s14;
	[sflag:s13] =	ssyncadd.s32 @!p1 s15  }
.LBB1_1:
0x2b: {  	p1 =	sge.u32 s11, s6  }
0x2c: {  	s13 =	sand.u32 @!p1 $0x1FFFFFF, s10  }
0x2d: {  	s14 =	smulhi.u32 @!p1 $0x1A36E2F, s13;
	_ =	sdelay $0x1  }
0x2e: {  	s14 =	sshrl.u32 @!p1 s14, $0xB  }
0x2f: {  	s14 =	smul.u32 @!p1 $0x4E200, s14;
	_ =	sdelay $0x1  }
0x30: {  	s31 =	sadd.s32 $0xFFFFFFFF, s11;
	s15 =	sxor.u32 @!p1 $0xFFFFFFFF, s11;
	s13 =	ssub.s32 @!p1 s13, s14  }
0x31: {  	s16 =	simm.s32 @!p1 $0x80;
	s15 =	sshll.u32 @!p1 s15, $0xD;
	s13 =	sshll.u32 @!p1 s13, $0x4  }
0x32: {  	s14 =	sand.u32 @!p1 $0x2000, s15;
	s15 =	simm.s32 @!p1 $0x40;
	s13 =	sadd.s32 @!p1 s3, s13  }
0x33: {  	[tilespmem:s14], [sflag:$0x1] =	stream.strided.gather @!p1 [hbm4b:s13+s15], $0x2000, s16, s15, $0x38;
	[tilespmem:$0x8080] =	vst v63  }
0x34: {  	p1 =	sge.u32 s31, s6  }
.Ltmp2:
0x35: {  	_ = 	snop;
	(pc) =	sbr.rel @p1 .LBB1_5-.Ltmp2, $1  }
0x36: {  	_ =	sdelay $0x3  }
0x37: {  	s13 =	simm.s32 $0x1  }
0x38: {  	_ =	swait.ge [sflag:s4], $0x2000;
	s13 =	simm.s32 @!p0 $0x0  }
0x39: {  	[sflag:s4] =	ssyncset.done $0x0;
	s14 =	sshll.u32 s13, $0xD  }
0x3a: {  	[sflag:s4] =	ssyncadd.s32 $0xFFFFE000;
	s17 =	sor.u32 $0x20, s14  }
0x3b: {  	s13 =	smul.u32 $0x8100, s13;
	v3 =	vld [tilespmem:s17+$0x10]  }
0x3c: {  	s30 =	sand.u32 $0x1, s11;
	v2 =	vld [tilespmem:s17+$0xFFFFFFF0]  }
0x3d: {  	s14 =	smul.u32 $0x8100, s30;
	s13 =	sshrl.u32 s13, $0x2;
	v0 =	vld [tilespmem:s17+$0x0]  }
0x3e: {  	v1 =	vld [tilespmem:s17+$0xFFFFFFE0];
	s15 =	sor.u32 $0x4000, s13  }
0x3f: {  	s31 =	sshrl.u32 s14, $0x2;
	s14 =	sadd.s32 $0x0, s15  }
0x40: {  	s16 =	simm.s32 $0x4;
	s17 =	sadd.s32 $0x40, s17;
	s13 =	sor.u32 $0x4000, s31;
	[tilespmem:s14+$0x1830 ss:$0x81] =	vst.msk $0xffff, v3  }
.LBB1_3:
0x41: {  	v3 =	vld [tilespmem:s17+$0x10];
	p1 =	sne.s32 s16, $0x1FC;
	[tilespmem:s14+$0x810 ss:$0x81] =	vst.msk $0xffff, v2;
	s18 =	smov.u32 s16;
	s16 =	sadd.s32 $0x4, s16  }
.Ltmp3:
0x42: {  	v2 =	vld [tilespmem:s17+$0xFFFFFFF0];
	[tilespmem:s14+$0x1020 ss:$0x81] =	vst.msk $0xffff, v0;
	(pc) =	sbr.rel @p1 .LBB1_3-.Ltmp3, $4  }
0x43: {  	v0 =	vld [tilespmem:s17+$0x0];
	[tilespmem:s14+$0x0 ss:$0x81] =	vst.msk $0xffff, v1  }
0x44: {  	s14 =	sshra.s32 s18, $0x2;
	v1 =	vld [tilespmem:s17+$0xFFFFFFE0]  }
0x45: {  	s14 =	sadd.s32 s14, s15  }
0x46: {  	s17 =	sadd.s32 $0x40, s17;
	[tilespmem:s14+$0x1830 ss:$0x81] =	vst.msk $0xffff, v3  }
.Ltmp4:
0x47: {  	_ = 	snop;
	(pc) =	sbr.rel .LBB1_4-.Ltmp4, $1  }
0x48: {  	_ =	sdelay $0x3  }
.LBB1_6:
0x49: {  	_ =	sfence.sel $0x180000  }
0x4a: {  	s2 =	simm.s32 $0x1;
	[bflag:$0x0] =	sbarrier.arrive $0xFFFF  }
0x4b: {  	s31 =	simm.s32 $0x2;
	[sflag:s2] =	ssyncpa.u1 $0x1  }
0x4c: {  	[sflag:s31] =	ssyncpa.u1 $0x1  }
0x4d: {  	p0 =	sne.s32 s0, $0x0;
	_ =	strace $0x90000047  }
0x4e: {  	s0 =	sadd.s32 @!p0 $0x100000, s1;
	[bflag:$0x2] =	sbarrier.arrive $0xFFFF  }
0x4f: {  	[sflag:s0] =	ssyncadd.tile.s32 @!p0 $0x1;
	_ =	shalt  }
.Lfunc_end1:
_tile_overlayer_lowered:
.L_overlay_start_2:
0x50: {  	(tag) =	ssettag $0x2  }
0x51: {  	s0 =	rddreg [dreg:$0x0];
	s2 =	stileid.u32  }
0x52: {  	s1 =	rddreg [dreg:$0x1];
	p0 =	sne.s32 s2, $0x0  }
0x53: {  	s3 =	rddreg [dreg:$0x2];
	[bflag:$0x3] =	sbarrier.arrive $0xFFFF;
	s2 =	simm.s32 @!p0 $0x1C01  }
0x54: {  	[timem:s3], [sflag:s2] =	dma.local @!p0 [hbm:s0], s1  }
0x55: {  	s0 =	simm.s32 @!p0 $0x1  }
0x56: {  	_ =	swait.ge @!p0 [sflag:s0], s1  }
0x57: {  	s1 =	ssub.s32 @!p0 $0x0, s1;
	[sflag:s0] =	ssyncset.done @!p0 $0x0  }
0x58: {  	[sflag:s0] =	ssyncadd.s32 @!p0 s1  }
0x59: {  	[bflag:$0x3] =	sbarrier.arrive $0xFFFF  }
0x5a: {  	_ =	shalt  }

</sc_bundles>
